<compile_context>
chip_gen: v7x
topology: tpu7x:2x2x1
jax: 0.10.2.dev20260603
libtpu: 0.0.44.dev20260713+nightly
codegen_flags: <defaults>
</compile_context>

<pallas_src>
import functools

import jax
import jax.numpy as jnp
from jax import lax
from jax.experimental import pallas as pl
from jax.experimental.pallas import tpu as pltpu
from jax.experimental.pallas import tpu_sc as plsc

_NC = 2
_NS = 16
_NW = _NC * _NS

_CHUNK = 40


def _mm_bias_body(x_ref, w_ref, b_ref, o_ref):
    o_ref[...] = (
        jnp.dot(x_ref[...], w_ref[...], preferred_element_type=jnp.float32)
        + b_ref[...]
    )


def _tc_matmul_bias(x, wt, b, blk):
    n, d = x.shape
    dout = wt.shape[1]
    return pl.pallas_call(
        _mm_bias_body,
        grid=(n // blk,),
        in_specs=[
            pl.BlockSpec((blk, d), lambda i: (i, 0)),
            pl.BlockSpec((d, dout), lambda i: (0, 0)),
            pl.BlockSpec((1, dout), lambda i: (0, 0)),
        ],
        out_specs=pl.BlockSpec((blk, dout), lambda i: (i, 0)),
        out_shape=jax.ShapeDtypeStruct((n, dout), jnp.float32),
    )(x, wt, b)


def _make_sc_gather(n_edges, d_out_e, d_out_x):
    d_out = d_out_e + d_out_x
    per_w = n_edges // _NW
    n_chunks = per_w // _CHUNK
    assert per_w % _CHUNK == 0 and _CHUNK % 8 == 0 and n_chunks % 2 == 0

    mesh = plsc.VectorSubcoreMesh(core_axis_name="c", subcore_axis_name="s")

    @functools.partial(
        pl.kernel,
        mesh=mesh,
        out_type=jax.ShapeDtypeStruct((n_edges, d_out), jnp.float32),
        scratch_types=[
            pltpu.VMEM((per_w,), jnp.int32),
            pltpu.VMEM((per_w,), jnp.int32),
            pltpu.VMEM((_CHUNK, d_out_x), jnp.float32),
            pltpu.VMEM((_CHUNK, d_out_x), jnp.float32),
            pltpu.VMEM((_CHUNK, d_out_x), jnp.float32),
            pltpu.VMEM((_CHUNK, d_out_x), jnp.float32),
            pltpu.VMEM((_CHUNK * d_out_e,), jnp.float32),
            pltpu.VMEM((_CHUNK * d_out_e,), jnp.float32),
            pltpu.VMEM((_CHUNK, d_out), jnp.float32),
            pltpu.VMEM((_CHUNK, d_out), jnp.float32),
            pltpu.SemaphoreType.DMA,
            pltpu.SemaphoreType.DMA,
            pltpu.SemaphoreType.DMA,
            pltpu.SemaphoreType.DMA,
            pltpu.SemaphoreType.DMA,
            pltpu.SemaphoreType.DMA,
            pltpu.SemaphoreType.DMA,
            pltpu.SemaphoreType.DMA,
        ],
    )
    def sc_gather(xw_hbm, src_hbm, dst_hbm, ew_hbm, out_hbm,
                  idx_s, idx_d,
                  buf_s0, buf_s1, buf_d0, buf_d1, buf_e0, buf_e1,
                  pack0, pack1,
                  sem_s0, sem_s1, sem_d0, sem_d1,
                  sem_e0, sem_e1, sem_o0, sem_o1):
        wid = lax.axis_index("s") * _NC + lax.axis_index("c")
        wbase = wid * per_w
        buf_s = (buf_s0, buf_s1)
        buf_d = (buf_d0, buf_d1)
        buf_e = (buf_e0, buf_e1)
        pack = (pack0, pack1)
        sem_s = (sem_s0, sem_s1)
        sem_d = (sem_d0, sem_d1)
        sem_e = (sem_e0, sem_e1)
        sem_o = (sem_o0, sem_o1)

        pltpu.sync_copy(src_hbm.at[pl.ds(wbase, per_w)], idx_s)
        pltpu.sync_copy(dst_hbm.at[pl.ds(wbase, per_w)], idx_d)

        def issue(cj, b):
            off = pl.multiple_of(cj * _CHUNK, 8)
            ebase = pl.multiple_of((wbase + cj * _CHUNK) * d_out_e, 8)
            pltpu.async_copy(
                xw_hbm.at[idx_s.at[pl.ds(off, _CHUNK)]], buf_s[b], sem_s[b])
            pltpu.async_copy(
                xw_hbm.at[idx_d.at[pl.ds(off, _CHUNK)]], buf_d[b], sem_d[b])
            pltpu.async_copy(
                ew_hbm.at[pl.ds(ebase, _CHUNK * d_out_e)], buf_e[b], sem_e[b])

        for b in range(2):
            issue(b, b)

        def chunk_body(j, carry):
            for b in range(2):
                cj = 2 * j + b
                base = pl.multiple_of(wbase + cj * _CHUNK, 8)
                pltpu.make_async_copy(
                    xw_hbm.at[idx_s.at[pl.ds(0, _CHUNK)]], buf_s[b],
                    sem_s[b]).wait()
                pltpu.make_async_copy(
                    xw_hbm.at[idx_d.at[pl.ds(0, _CHUNK)]], buf_d[b],
                    sem_d[b]).wait()
                pltpu.make_async_copy(
                    ew_hbm.at[pl.ds(0, _CHUNK * d_out_e)], buf_e[b],
                    sem_e[b]).wait()

                @pl.when(j >= 1)
                def _():
                    pltpu.make_async_copy(
                        pack[b], out_hbm.at[pl.ds(0, _CHUNK)], sem_o[b]).wait()

                @plsc.parallel_loop(0, _CHUNK, unroll=2)
                def _(i):
                    pack[b][i, pl.ds(0, d_out_e)] = (
                        buf_e[b][pl.ds(i * d_out_e, d_out_e)]
                    )
                    for k in range(d_out_x // 16):
                        pack[b][i, pl.ds(d_out_e + 16 * k, 16)] = (
                            buf_s[b][i, pl.ds(16 * k, 16)]
                            + buf_d[b][i, pl.ds(16 * k, 16)]
                        )

                pltpu.async_copy(
                    pack[b], out_hbm.at[pl.ds(base, _CHUNK)], sem_o[b])

                @pl.when(j < (n_chunks // 2 - 1))
                def _():
                    issue(cj + 2, b)
            return carry

        lax.fori_loop(0, n_chunks // 2, chunk_body, 0)

        for b in range(2):
            pltpu.make_async_copy(
                pack[b], out_hbm.at[pl.ds(0, _CHUNK)], sem_o[b]).wait()

    return sc_gather


def kernel(x, edge_index, edge_attr, Wx, bx, We, be):
    n_edges, d_edge = edge_attr.shape
    d_out_x = Wx.shape[0]
    d_out_e = We.shape[0]
    src = edge_index[0].astype(jnp.int32)
    dst = edge_index[1].astype(jnp.int32)

    xw = _tc_matmul_bias(x, Wx.T, (0.5 * bx)[None, :], blk=2000)

    packf = 128 // d_edge
    we_bd = jnp.kron(jnp.eye(packf, dtype=We.dtype), We.T)
    ew = _tc_matmul_bias(
        edge_attr.reshape(n_edges // packf, packf * d_edge),
        we_bd,
        jnp.tile(be, packf)[None, :],
        blk=4000,
    ).reshape(-1)

    sc = _make_sc_gather(n_edges, d_out_e, d_out_x)
    return sc(xw, src, dst, ew)

# --- scband reference (transcript-rebuilt; emitter-appended) ---
"""Pipeline reference for scband-edge-centric-72567767433499 (READ-ONLY COPY).

The authoritative reference and input builder live on the scoring server;
editing this copy changes nothing except your own understanding.
"""

import jax, jax.numpy as jnp
import numpy as np

N_NODES = 10000
N_EDGES = 320000
D_FEAT = 128
D_EDGE = 16
OUT_X = 128
OUT_E = 16


def setup_inputs(seed: int = 0) -> dict:
    key = jax.random.key(seed)
    k_x, k_ei, k_ea, k_wx, k_bx, k_we, k_be = jax.random.split(key, 7)
    x = jax.random.normal(k_x, (N_NODES, D_FEAT), dtype=jnp.float32)
    edge_index = jax.random.randint(k_ei, (2, N_EDGES), 0, N_NODES, dtype=jnp.int64)
    edge_attr = jax.random.normal(k_ea, (N_EDGES, D_EDGE), dtype=jnp.float32)
    # Linear layer params (PyTorch nn.Linear: y = x @ W.T + b)
    bound_x = 1.0 / np.sqrt(D_FEAT)
    Wx = jax.random.uniform(k_wx, (OUT_X, D_FEAT), minval=-bound_x, maxval=bound_x, dtype=jnp.float32)
    bx = jax.random.uniform(k_bx, (OUT_X,), minval=-bound_x, maxval=bound_x, dtype=jnp.float32)
    bound_e = 1.0 / np.sqrt(D_EDGE)
    We = jax.random.uniform(k_we, (OUT_E, D_EDGE), minval=-bound_e, maxval=bound_e, dtype=jnp.float32)
    be = jax.random.uniform(k_be, (OUT_E,), minval=-bound_e, maxval=bound_e, dtype=jnp.float32)
    return {"x": x, "edge_index": edge_index, "edge_attr": edge_attr,
            "Wx": Wx, "bx": bx, "We": We, "be": be}


def reference(x, edge_index, edge_attr, Wx, bx, We, be):
    # edge_attr = self.fce(edge_attr)
    e_out = edge_attr @ We.T + be  # [E, OUT_E]
    # node_sum = add_neighbours(x, edge_index): per-edge sum of endpoint node features
    src = edge_index[0]
    dst = edge_index[1]
    node_sum = jnp.take(x, src, axis=0) + jnp.take(x, dst, axis=0)  # [E, D_FEAT]
    # node_sum = self.fcx(node_sum)
    node_sum = node_sum @ Wx.T + bx  # [E, OUT_X]
    # edge_attr = torch.cat((edge_attr, node_sum), dim=1)
    return jnp.concatenate([e_out, node_sum], axis=1)  # [E, OUT_E + OUT_X]

if __name__ == "__main__":
    import jax
    _d = setup_inputs()
    print(jax.jit(kernel)(*tuple(_d.values())))

</pallas_src>

<mosaic_0001>
#map = affine_map<(d0, d1) -> (0, 0)>
#map1 = affine_map<(d0, d1) -> (0)>
module attributes {stable_mosaic.version = 14 : i64} {
  func.func @sc_gather(%arg0: i32, %arg1: i32, %arg2: memref<10000x128xf32, #tpu.memory_space<hbm>>, %arg3: memref<320000xi32, #tpu.memory_space<hbm>>, %arg4: memref<320000xi32, #tpu.memory_space<hbm>>, %arg5: memref<5120000xf32, #tpu.memory_space<hbm>>, %arg6: memref<320000x144xf32, #tpu.memory_space<hbm>>, %arg7: memref<10000xi32, #tpu.memory_space<vmem>>, %arg8: memref<10000xi32, #tpu.memory_space<vmem>>, %arg9: memref<40x128xf32, #tpu.memory_space<vmem>>, %arg10: memref<40x128xf32, #tpu.memory_space<vmem>>, %arg11: memref<40x128xf32, #tpu.memory_space<vmem>>, %arg12: memref<40x128xf32, #tpu.memory_space<vmem>>, %arg13: memref<640xf32, #tpu.memory_space<vmem>>, %arg14: memref<640xf32, #tpu.memory_space<vmem>>, %arg15: memref<40x144xf32, #tpu.memory_space<vmem>>, %arg16: memref<40x144xf32, #tpu.memory_space<vmem>>, %arg17: memref<!tpu.dma_semaphore, #tpu.memory_space<semaphore_mem>>, %arg18: memref<!tpu.dma_semaphore, #tpu.memory_space<semaphore_mem>>, %arg19: memref<!tpu.dma_semaphore, #tpu.memory_space<semaphore_mem>>, %arg20: memref<!tpu.dma_semaphore, #tpu.memory_space<semaphore_mem>>, %arg21: memref<!tpu.dma_semaphore, #tpu.memory_space<semaphore_mem>>, %arg22: memref<!tpu.dma_semaphore, #tpu.memory_space<semaphore_mem>>, %arg23: memref<!tpu.dma_semaphore, #tpu.memory_space<semaphore_mem>>, %arg24: memref<!tpu.dma_semaphore, #tpu.memory_space<semaphore_mem>>) attributes {dimension_semantics = [#tpu.dimension_semantics<core_parallel>, #tpu.dimension_semantics<subcore_parallel>], iteration_bounds = array<i64: 2, 16>, scalar_prefetch = 0 : i64, scratch_operands = 18 : i64, tpu.core_type = #tpu.core_type<sc_vector_subcore>, window_params = [{transform_indices = #map}, {transform_indices = #map1}, {transform_indices = #map1}, {transform_indices = #map1}, {transform_indices = #map}]} {
    %mul3A = arith.constant 2 : i32
    %mul3A_0 = arith.muli %arg1, %mul3A : i32
    %add3A = arith.addi %mul3A_0, %arg0 : i32
    %mul3A_1 = arith.constant 10000 : i32
    %mul3A_2 = arith.muli %add3A, %mul3A_1 : i32
    "tpu.region"() ({
      %run_scoped3A = tpu.sem_alloc : memref<!tpu.dma_semaphore, #tpu.memory_space<semaphore_mem>>
      %dma_start3A_51 = tpu.memref_slice %arg3[%mul3A_2] : memref<320000xi32, #tpu.memory_space<hbm>> -> memref<10000xi32, #tpu.memory_space<hbm>>
      %dma_start3A_52 = tpu.memref_slice %arg3[%mul3A_2] : memref<320000xi32, #tpu.memory_space<hbm>> -> memref<10000xi32, #tpu.memory_space<hbm>>
      tpu.enqueue_dma source(%dma_start3A_52 : memref<10000xi32, #tpu.memory_space<hbm>>) target(%arg7 : memref<10000xi32, #tpu.memory_space<vmem>>) target_semaphore(%run_scoped3A : memref<!tpu.dma_semaphore, #tpu.memory_space<semaphore_mem>>)
      %dma_wait3A_53 = tpu.memref_slice %arg3[%mul3A_2] : memref<320000xi32, #tpu.memory_space<hbm>> -> memref<10000xi32, #tpu.memory_space<hbm>>
      %dma_wait3A_54 = tpu.memref_slice %arg3[%mul3A_2] : memref<320000xi32, #tpu.memory_space<hbm>> -> memref<10000xi32, #tpu.memory_space<hbm>>
      tpu.wait_dma2 semaphore(%run_scoped3A : memref<!tpu.dma_semaphore, #tpu.memory_space<semaphore_mem>>) src(%dma_wait3A_54 : memref<10000xi32, #tpu.memory_space<hbm>>) dst(%arg7 : memref<10000xi32, #tpu.memory_space<vmem>>)
      tpu.yield
    }) : () -> ()
    "tpu.region"() ({
      %run_scoped3A = tpu.sem_alloc : memref<!tpu.dma_semaphore, #tpu.memory_space<semaphore_mem>>
      %dma_start3A_51 = tpu.memref_slice %arg4[%mul3A_2] : memref<320000xi32, #tpu.memory_space<hbm>> -> memref<10000xi32, #tpu.memory_space<hbm>>
      %dma_start3A_52 = tpu.memref_slice %arg4[%mul3A_2] : memref<320000xi32, #tpu.memory_space<hbm>> -> memref<10000xi32, #tpu.memory_space<hbm>>
      tpu.enqueue_dma source(%dma_start3A_52 : memref<10000xi32, #tpu.memory_space<hbm>>) target(%arg8 : memref<10000xi32, #tpu.memory_space<vmem>>) target_semaphore(%run_scoped3A : memref<!tpu.dma_semaphore, #tpu.memory_space<semaphore_mem>>)
      %dma_wait3A_53 = tpu.memref_slice %arg4[%mul3A_2] : memref<320000xi32, #tpu.memory_space<hbm>> -> memref<10000xi32, #tpu.memory_space<hbm>>
      %dma_wait3A_54 = tpu.memref_slice %arg4[%mul3A_2] : memref<320000xi32, #tpu.memory_space<hbm>> -> memref<10000xi32, #tpu.memory_space<hbm>>
      tpu.wait_dma2 semaphore(%run_scoped3A : memref<!tpu.dma_semaphore, #tpu.memory_space<semaphore_mem>>) src(%dma_wait3A_54 : memref<10000xi32, #tpu.memory_space<hbm>>) dst(%arg8 : memref<10000xi32, #tpu.memory_space<vmem>>)
      tpu.yield
    }) : () -> ()
    %multiple_of3A = arith.constant 0 : i32
    %multiple_of3A_3 = tpu.assume_multiple %multiple_of3A, 8 : i32
    %add3A_4 = arith.constant 0 : i32
    %add3A_5 = arith.addi %mul3A_2, %add3A_4 : i32
    %mul3A_6 = arith.constant 16 : i32
    %mul3A_7 = arith.muli %add3A_5, %mul3A_6 : i32
    %multiple_of3A_8 = tpu.assume_multiple %mul3A_7, 8 : i32
    %dma_start3A = tpu.memref_slice %arg7[%multiple_of3A_3] : memref<10000xi32, #tpu.memory_space<vmem>> -> memref<40xi32, #tpu.memory_space<vmem>>
    %dma_start3A_9 = arith.constant 0 : i32
    %dma_start3A_10 = arith.constant 0 : i32
    %dma_start3A_11 = tpu.memref_slice %arg2[%dma_start3A_9, %dma_start3A_10] : memref<10000x128xf32, #tpu.memory_space<hbm>> -> memref<10000x128xf32, #tpu.memory_space<hbm>>
    tpu.enqueue_indirect_dma source(%dma_start3A_11 : memref<10000x128xf32, #tpu.memory_space<hbm>>) target(%arg9 : memref<40x128xf32, #tpu.memory_space<vmem>>) offsets(%dma_start3A : memref<40xi32, #tpu.memory_space<vmem>>) semaphore(%arg17 : memref<!tpu.dma_semaphore, #tpu.memory_space<semaphore_mem>>)
    %dma_start3A_12 = tpu.memref_slice %arg8[%multiple_of3A_3] : memref<10000xi32, #tpu.memory_space<vmem>> -> memref<40xi32, #tpu.memory_space<vmem>>
    %dma_start3A_13 = arith.constant 0 : i32
    %dma_start3A_14 = arith.constant 0 : i32
    %dma_start3A_15 = tpu.memref_slice %arg2[%dma_start3A_13, %dma_start3A_14] : memref<10000x128xf32, #tpu.memory_space<hbm>> -> memref<10000x128xf32, #tpu.memory_space<hbm>>
    tpu.enqueue_indirect_dma source(%dma_start3A_15 : memref<10000x128xf32, #tpu.memory_space<hbm>>) target(%arg11 : memref<40x128xf32, #tpu.memory_space<vmem>>) offsets(%dma_start3A_12 : memref<40xi32, #tpu.memory_space<vmem>>) semaphore(%arg19 : memref<!tpu.dma_semaphore, #tpu.memory_space<semaphore_mem>>)
    %dma_start3A_16 = tpu.memref_slice %arg5[%multiple_of3A_8] : memref<5120000xf32, #tpu.memory_space<hbm>> -> memref<640xf32, #tpu.memory_space<hbm>>
    %dma_start3A_17 = tpu.memref_slice %arg5[%multiple_of3A_8] : memref<5120000xf32, #tpu.memory_space<hbm>> -> memref<640xf32, #tpu.memory_space<hbm>>
    tpu.enqueue_dma source(%dma_start3A_17 : memref<640xf32, #tpu.memory_space<hbm>>) target(%arg13 : memref<640xf32, #tpu.memory_space<vmem>>) target_semaphore(%arg21 : memref<!tpu.dma_semaphore, #tpu.memory_space<semaphore_mem>>)
    %multiple_of3A_18 = arith.constant 40 : i32
    %multiple_of3A_19 = tpu.assume_multiple %multiple_of3A_18, 8 : i32
    %add3A_20 = arith.constant 40 : i32
    %add3A_21 = arith.addi %mul3A_2, %add3A_20 : i32
    %mul3A_22 = arith.constant 16 : i32
    %mul3A_23 = arith.muli %add3A_21, %mul3A_22 : i32
    %multiple_of3A_24 = tpu.assume_multiple %mul3A_23, 8 : i32
    %dma_start3A_25 = tpu.memref_slice %arg7[%multiple_of3A_19] : memref<10000xi32, #tpu.memory_space<vmem>> -> memref<40xi32, #tpu.memory_space<vmem>>
    %dma_start3A_26 = arith.constant 0 : i32
    %dma_start3A_27 = arith.constant 0 : i32
    %dma_start3A_28 = tpu.memref_slice %arg2[%dma_start3A_26, %dma_start3A_27] : memref<10000x128xf32, #tpu.memory_space<hbm>> -> memref<10000x128xf32, #tpu.memory_space<hbm>>
    tpu.enqueue_indirect_dma source(%dma_start3A_28 : memref<10000x128xf32, #tpu.memory_space<hbm>>) target(%arg10 : memref<40x128xf32, #tpu.memory_space<vmem>>) offsets(%dma_start3A_25 : memref<40xi32, #tpu.memory_space<vmem>>) semaphore(%arg18 : memref<!tpu.dma_semaphore, #tpu.memory_space<semaphore_mem>>)
    %dma_start3A_29 = tpu.memref_slice %arg8[%multiple_of3A_19] : memref<10000xi32, #tpu.memory_space<vmem>> -> memref<40xi32, #tpu.memory_space<vmem>>
    %dma_start3A_30 = arith.constant 0 : i32
    %dma_start3A_31 = arith.constant 0 : i32
    %dma_start3A_32 = tpu.memref_slice %arg2[%dma_start3A_30, %dma_start3A_31] : memref<10000x128xf32, #tpu.memory_space<hbm>> -> memref<10000x128xf32, #tpu.memory_space<hbm>>
    tpu.enqueue_indirect_dma source(%dma_start3A_32 : memref<10000x128xf32, #tpu.memory_space<hbm>>) target(%arg12 : memref<40x128xf32, #tpu.memory_space<vmem>>) offsets(%dma_start3A_29 : memref<40xi32, #tpu.memory_space<vmem>>) semaphore(%arg20 : memref<!tpu.dma_semaphore, #tpu.memory_space<semaphore_mem>>)
    %dma_start3A_33 = tpu.memref_slice %arg5[%multiple_of3A_24] : memref<5120000xf32, #tpu.memory_space<hbm>> -> memref<640xf32, #tpu.memory_space<hbm>>
    %dma_start3A_34 = tpu.memref_slice %arg5[%multiple_of3A_24] : memref<5120000xf32, #tpu.memory_space<hbm>> -> memref<640xf32, #tpu.memory_space<hbm>>
    tpu.enqueue_dma source(%dma_start3A_34 : memref<640xf32, #tpu.memory_space<hbm>>) target(%arg14 : memref<640xf32, #tpu.memory_space<vmem>>) target_semaphore(%arg22 : memref<!tpu.dma_semaphore, #tpu.memory_space<semaphore_mem>>)
    %scan3A = arith.constant 0 : i32
    %scan3A_35 = arith.constant 0 : i32
    %scan3A_36 = arith.constant 125 : i32
    %scan3A_37 = arith.addi %scan3A_35, %scan3A_36 : i32
    %scan3A_38 = arith.constant 1 : i32
    scf.for %scan3A_51 = %scan3A_35 to %scan3A_37 step %scan3A_38  : i32 {
      %mul3A_52 = arith.constant 2 : i32
      %mul3A_53 = arith.muli %mul3A_52, %scan3A_51 : i32
      %add3A_54 = arith.constant 0 : i32
      %add3A_55 = arith.addi %mul3A_53, %add3A_54 : i32
      %mul3A_56 = arith.constant 40 : i32
      %mul3A_57 = arith.muli %add3A_55, %mul3A_56 : i32
      %add3A_58 = arith.addi %mul3A_2, %mul3A_57 : i32
      %multiple_of3A_59 = tpu.assume_multiple %add3A_58, 8 : i32
      %dma_wait3A_60 = arith.constant 0 : i32
      %dma_wait3A_61 = tpu.memref_slice %arg7[%dma_wait3A_60] : memref<10000xi32, #tpu.memory_space<vmem>> -> memref<40xi32, #tpu.memory_space<vmem>>
      %dma_wait3A_62 = arith.constant 0 : i32
      %dma_wait3A_63 = arith.constant 0 : i32
      %dma_wait3A_64 = tpu.memref_slice %arg2[%dma_wait3A_62, %dma_wait3A_63] : memref<10000x128xf32, #tpu.memory_space<hbm>> -> memref<10000x128xf32, #tpu.memory_space<hbm>>
      tpu.wait_indirect_dma semaphore(%arg17 : memref<!tpu.dma_semaphore, #tpu.memory_space<semaphore_mem>>) src(%dma_wait3A_64 : memref<10000x128xf32, #tpu.memory_space<hbm>>) dst(%arg9 : memref<40x128xf32, #tpu.memory_space<vmem>>)
      %dma_wait3A_65 = arith.constant 0 : i32
      %dma_wait3A_66 = tpu.memref_slice %arg8[%dma_wait3A_65] : memref<10000xi32, #tpu.memory_space<vmem>> -> memref<40xi32, #tpu.memory_space<vmem>>
      %dma_wait3A_67 = arith.constant 0 : i32
      %dma_wait3A_68 = arith.constant 0 : i32
      %dma_wait3A_69 = tpu.memref_slice %arg2[%dma_wait3A_67, %dma_wait3A_68] : memref<10000x128xf32, #tpu.memory_space<hbm>> -> memref<10000x128xf32, #tpu.memory_space<hbm>>
      tpu.wait_indirect_dma semaphore(%arg19 : memref<!tpu.dma_semaphore, #tpu.memory_space<semaphore_mem>>) src(%dma_wait3A_69 : memref<10000x128xf32, #tpu.memory_space<hbm>>) dst(%arg11 : memref<40x128xf32, #tpu.memory_space<vmem>>)
      %dma_wait3A_70 = arith.constant 0 : i32
      %dma_wait3A_71 = tpu.memref_slice %arg5[%dma_wait3A_70] : memref<5120000xf32, #tpu.memory_space<hbm>> -> memref<640xf32, #tpu.memory_space<hbm>>
      %dma_wait3A_72 = arith.constant 0 : i32
      %dma_wait3A_73 = tpu.memref_slice %arg5[%dma_wait3A_72] : memref<5120000xf32, #tpu.memory_space<hbm>> -> memref<640xf32, #tpu.memory_space<hbm>>
      tpu.wait_dma2 semaphore(%arg21 : memref<!tpu.dma_semaphore, #tpu.memory_space<semaphore_mem>>) src(%dma_wait3A_73 : memref<640xf32, #tpu.memory_space<hbm>>) dst(%arg13 : memref<640xf32, #tpu.memory_space<vmem>>)
      %ge3A = arith.constant 1 : i32
      %ge3A_74 = arith.cmpi sge, %scan3A_51, %ge3A : i32
      %convert_element_type3A = arith.extui %ge3A_74 : i1 to i32
      %cond3A = arith.constant 0 : i32
      %cond3A_75 = arith.cmpi ne, %convert_element_type3A, %cond3A : i32
      scf.if %cond3A_75 {
        %dma_wait3A_125 = arith.constant 0 : i32
        %dma_wait3A_126 = arith.constant 0 : i32
        %dma_wait3A_127 = tpu.memref_slice %arg6[%dma_wait3A_125, %dma_wait3A_126] : memref<320000x144xf32, #tpu.memory_space<hbm>> -> memref<40x144xf32, #tpu.memory_space<hbm>>
        %dma_wait3A_128 = arith.constant 0 : i32
        %dma_wait3A_129 = arith.constant 0 : i32
        %dma_wait3A_130 = tpu.memref_slice %arg6[%dma_wait3A_128, %dma_wait3A_129] : memref<320000x144xf32, #tpu.memory_space<hbm>> -> memref<40x144xf32, #tpu.memory_space<hbm>>
        tpu.wait_dma2 semaphore(%arg23 : memref<!tpu.dma_semaphore, #tpu.memory_space<semaphore_mem>>) src(%arg15 : memref<40x144xf32, #tpu.memory_space<vmem>>) dst(%dma_wait3A_130 : memref<40x144xf32, #tpu.memory_space<hbm>>)
      } else {
      }
      %parallel_loop3A = arith.constant 0 : i32
      %parallel_loop3A_76 = arith.constant 40 : i32
      %parallel_loop3A_77 = arith.constant 1 : i32
      scf.for %parallel_loop3A_125 = %parallel_loop3A to %parallel_loop3A_76 step %parallel_loop3A_77  : i32 {
        %parallel_loop3A_126 = arith.constant 16 : i32
        %parallel_loop3A_127 = arith.muli %parallel_loop3A_125, %parallel_loop3A_126 : i32
        %parallel_loop3A_128 = arith.index_cast %parallel_loop3A_127 : i32 to index
        %parallel_loop3A_129 = tpu.vector_load %arg13[%parallel_loop3A_128] {strides = array<i32>} : memref<640xf32, #tpu.memory_space<vmem>>, vector<16xf32>,
        %parallel_loop3A_130 = vector.shape_cast %parallel_loop3A_129 : vector<16xf32> to vector<16xf32>
        %parallel_loop3A_131 = arith.index_cast %parallel_loop3A_125 : i32 to index
        %parallel_loop3A_132 = arith.constant 0 : index
        %parallel_loop3A_133 = tpu.vector_load %arg15[%parallel_loop3A_131, %parallel_loop3A_132] {strides = array<i32>} : memref<40x144xf32, #tpu.memory_space<vmem>>, vector<1x16xf32>,
        %parallel_loop3A_134 = vector.shape_cast %parallel_loop3A_133 : vector<1x16xf32> to vector<16xf32>
        %parallel_loop3A_135 = vector.shape_cast %parallel_loop3A_130 : vector<16xf32> to vector<1x16xf32>
        tpu.vector_store %arg15[%parallel_loop3A_131, %parallel_loop3A_132], %parallel_loop3A_135 {strides = array<i32>} : memref<40x144xf32, #tpu.memory_space<vmem>>, vector<1x16xf32>,
        %parallel_loop3A_136 = arith.index_cast %parallel_loop3A_125 : i32 to index
        %parallel_loop3A_137 = arith.constant 0 : index
        %parallel_loop3A_138 = tpu.vector_load %arg9[%parallel_loop3A_136, %parallel_loop3A_137] {strides = array<i32>} : memref<40x128xf32, #tpu.memory_space<vmem>>, vector<1x16xf32>,
        %parallel_loop3A_139 = vector.shape_cast %parallel_loop3A_138 : vector<1x16xf32> to vector<16xf32>
        %parallel_loop3A_140 = arith.index_cast %parallel_loop3A_125 : i32 to index
        %parallel_loop3A_141 = arith.constant 0 : index
        %parallel_loop3A_142 = tpu.vector_load %arg11[%parallel_loop3A_140, %parallel_loop3A_141] {strides = array<i32>} : memref<40x128xf32, #tpu.memory_space<vmem>>, vector<1x16xf32>,
        %parallel_loop3A_143 = vector.shape_cast %parallel_loop3A_142 : vector<1x16xf32> to vector<16xf32>
        %parallel_loop3A_144 = arith.addf %parallel_loop3A_139, %parallel_loop3A_143 : vector<16xf32>
        %parallel_loop3A_145 = arith.index_cast %parallel_loop3A_125 : i32 to index
        %parallel_loop3A_146 = arith.constant 16 : index
        %parallel_loop3A_147 = tpu.vector_load %arg15[%parallel_loop3A_145, %parallel_loop3A_146] {strides = array<i32>} : memref<40x144xf32, #tpu.memory_space<vmem>>, vector<1x16xf32>,
        %parallel_loop3A_148 = vector.shape_cast %parallel_loop3A_147 : vector<1x16xf32> to vector<16xf32>
        %parallel_loop3A_149 = vector.shape_cast %parallel_loop3A_144 : vector<16xf32> to vector<1x16xf32>
        tpu.vector_store %arg15[%parallel_loop3A_145, %parallel_loop3A_146], %parallel_loop3A_149 {strides = array<i32>} : memref<40x144xf32, #tpu.memory_space<vmem>>, vector<1x16xf32>,
        %parallel_loop3A_150 = arith.index_cast %parallel_loop3A_125 : i32 to index
        %parallel_loop3A_151 = arith.constant 16 : index
        %parallel_loop3A_152 = tpu.vector_load %arg9[%parallel_loop3A_150, %parallel_loop3A_151] {strides = array<i32>} : memref<40x128xf32, #tpu.memory_space<vmem>>, vector<1x16xf32>,
        %parallel_loop3A_153 = vector.shape_cast %parallel_loop3A_152 : vector<1x16xf32> to vector<16xf32>
        %parallel_loop3A_154 = arith.index_cast %parallel_loop3A_125 : i32 to index
        %parallel_loop3A_155 = arith.constant 16 : index
        %parallel_loop3A_156 = tpu.vector_load %arg11[%parallel_loop3A_154, %parallel_loop3A_155] {strides = array<i32>} : memref<40x128xf32, #tpu.memory_space<vmem>>, vector<1x16xf32>,
        %parallel_loop3A_157 = vector.shape_cast %parallel_loop3A_156 : vector<1x16xf32> to vector<16xf32>
        %parallel_loop3A_158 = arith.addf %parallel_loop3A_153, %parallel_loop3A_157 : vector<16xf32>
        %parallel_loop3A_159 = arith.index_cast %parallel_loop3A_125 : i32 to index
        %parallel_loop3A_160 = arith.constant 32 : index
        %parallel_loop3A_161 = tpu.vector_load %arg15[%parallel_loop3A_159, %parallel_loop3A_160] {strides = array<i32>} : memref<40x144xf32, #tpu.memory_space<vmem>>, vector<1x16xf32>,
        %parallel_loop3A_162 = vector.shape_cast %parallel_loop3A_161 : vector<1x16xf32> to vector<16xf32>
        %parallel_loop3A_163 = vector.shape_cast %parallel_loop3A_158 : vector<16xf32> to vector<1x16xf32>
        tpu.vector_store %arg15[%parallel_loop3A_159, %parallel_loop3A_160], %parallel_loop3A_163 {strides = array<i32>} : memref<40x144xf32, #tpu.memory_space<vmem>>, vector<1x16xf32>,
        %parallel_loop3A_164 = arith.index_cast %parallel_loop3A_125 : i32 to index
        %parallel_loop3A_165 = arith.constant 32 : index
        %parallel_loop3A_166 = tpu.vector_load %arg9[%parallel_loop3A_164, %parallel_loop3A_165] {strides = array<i32>} : memref<40x128xf32, #tpu.memory_space<vmem>>, vector<1x16xf32>,
        %parallel_loop3A_167 = vector.shape_cast %parallel_loop3A_166 : vector<1x16xf32> to vector<16xf32>
        %parallel_loop3A_168 = arith.index_cast %parallel_loop3A_125 : i32 to index
        %parallel_loop3A_169 = arith.constant 32 : index
        %parallel_loop3A_170 = tpu.vector_load %arg11[%parallel_loop3A_168, %parallel_loop3A_169] {strides = array<i32>} : memref<40x128xf32, #tpu.memory_space<vmem>>, vector<1x16xf32>,
        %parallel_loop3A_171 = vector.shape_cast %parallel_loop3A_170 : vector<1x16xf32> to vector<16xf32>
        %parallel_loop3A_172 = arith.addf %parallel_loop3A_167, %parallel_loop3A_171 : vector<16xf32>
        %parallel_loop3A_173 = arith.index_cast %parallel_loop3A_125 : i32 to index
        %parallel_loop3A_174 = arith.constant 48 : index
        %parallel_loop3A_175 = tpu.vector_load %arg15[%parallel_loop3A_173, %parallel_loop3A_174] {strides = array<i32>} : memref<40x144xf32, #tpu.memory_space<vmem>>, vector<1x16xf32>,
        %parallel_loop3A_176 = vector.shape_cast %parallel_loop3A_175 : vector<1x16xf32> to vector<16xf32>
        %parallel_loop3A_177 = vector.shape_cast %parallel_loop3A_172 : vector<16xf32> to vector<1x16xf32>
        tpu.vector_store %arg15[%parallel_loop3A_173, %parallel_loop3A_174], %parallel_loop3A_177 {strides = array<i32>} : memref<40x144xf32, #tpu.memory_space<vmem>>, vector<1x16xf32>,
        %parallel_loop3A_178 = arith.index_cast %parallel_loop3A_125 : i32 to index
        %parallel_loop3A_179 = arith.constant 48 : index
        %parallel_loop3A_180 = tpu.vector_load %arg9[%parallel_loop3A_178, %parallel_loop3A_179] {strides = array<i32>} : memref<40x128xf32, #tpu.memory_space<vmem>>, vector<1x16xf32>,
        %parallel_loop3A_181 = vector.shape_cast %parallel_loop3A_180 : vector<1x16xf32> to vector<16xf32>
        %parallel_loop3A_182 = arith.index_cast %parallel_loop3A_125 : i32 to index
        %parallel_loop3A_183 = arith.constant 48 : index
        %parallel_loop3A_184 = tpu.vector_load %arg11[%parallel_loop3A_182, %parallel_loop3A_183] {strides = array<i32>} : memref<40x128xf32, #tpu.memory_space<vmem>>, vector<1x16xf32>,
        %parallel_loop3A_185 = vector.shape_cast %parallel_loop3A_184 : vector<1x16xf32> to vector<16xf32>
        %parallel_loop3A_186 = arith.addf %parallel_loop3A_181, %parallel_loop3A_185 : vector<16xf32>
        %parallel_loop3A_187 = arith.index_cast %parallel_loop3A_125 : i32 to index
        %parallel_loop3A_188 = arith.constant 64 : index
        %parallel_loop3A_189 = tpu.vector_load %arg15[%parallel_loop3A_187, %parallel_loop3A_188] {strides = array<i32>} : memref<40x144xf32, #tpu.memory_space<vmem>>, vector<1x16xf32>,
        %parallel_loop3A_190 = vector.shape_cast %parallel_loop3A_189 : vector<1x16xf32> to vector<16xf32>
        %parallel_loop3A_191 = vector.shape_cast %parallel_loop3A_186 : vector<16xf32> to vector<1x16xf32>
        tpu.vector_store %arg15[%parallel_loop3A_187, %parallel_loop3A_188], %parallel_loop3A_191 {strides = array<i32>} : memref<40x144xf32, #tpu.memory_space<vmem>>, vector<1x16xf32>,
        %parallel_loop3A_192 = arith.index_cast %parallel_loop3A_125 : i32 to index
        %parallel_loop3A_193 = arith.constant 64 : index
        %parallel_loop3A_194 = tpu.vector_load %arg9[%parallel_loop3A_192, %parallel_loop3A_193] {strides = array<i32>} : memref<40x128xf32, #tpu.memory_space<vmem>>, vector<1x16xf32>,
        %parallel_loop3A_195 = vector.shape_cast %parallel_loop3A_194 : vector<1x16xf32> to vector<16xf32>
        %parallel_loop3A_196 = arith.index_cast %parallel_loop3A_125 : i32 to index
        %parallel_loop3A_197 = arith.constant 64 : index
        %parallel_loop3A_198 = tpu.vector_load %arg11[%parallel_loop3A_196, %parallel_loop3A_197] {strides = array<i32>} : memref<40x128xf32, #tpu.memory_space<vmem>>, vector<1x16xf32>,
        %parallel_loop3A_199 = vector.shape_cast %parallel_loop3A_198 : vector<1x16xf32> to vector<16xf32>
        %parallel_loop3A_200 = arith.addf %parallel_loop3A_195, %parallel_loop3A_199 : vector<16xf32>
        %parallel_loop3A_201 = arith.index_cast %parallel_loop3A_125 : i32 to index
        %parallel_loop3A_202 = arith.constant 80 : index
        %parallel_loop3A_203 = tpu.vector_load %arg15[%parallel_loop3A_201, %parallel_loop3A_202] {strides = array<i32>} : memref<40x144xf32, #tpu.memory_space<vmem>>, vector<1x16xf32>,
        %parallel_loop3A_204 = vector.shape_cast %parallel_loop3A_203 : vector<1x16xf32> to vector<16xf32>
        %parallel_loop3A_205 = vector.shape_cast %parallel_loop3A_200 : vector<16xf32> to vector<1x16xf32>
        tpu.vector_store %arg15[%parallel_loop3A_201, %parallel_loop3A_202], %parallel_loop3A_205 {strides = array<i32>} : memref<40x144xf32, #tpu.memory_space<vmem>>, vector<1x16xf32>,
        %parallel_loop3A_206 = arith.index_cast %parallel_loop3A_125 : i32 to index
        %parallel_loop3A_207 = arith.constant 80 : index
        %parallel_loop3A_208 = tpu.vector_load %arg9[%parallel_loop3A_206, %parallel_loop3A_207] {strides = array<i32>} : memref<40x128xf32, #tpu.memory_space<vmem>>, vector<1x16xf32>,
        %parallel_loop3A_209 = vector.shape_cast %parallel_loop3A_208 : vector<1x16xf32> to vector<16xf32>
        %parallel_loop3A_210 = arith.index_cast %parallel_loop3A_125 : i32 to index
        %parallel_loop3A_211 = arith.constant 80 : index
        %parallel_loop3A_212 = tpu.vector_load %arg11[%parallel_loop3A_210, %parallel_loop3A_211] {strides = array<i32>} : memref<40x128xf32, #tpu.memory_space<vmem>>, vector<1x16xf32>,
        %parallel_loop3A_213 = vector.shape_cast %parallel_loop3A_212 : vector<1x16xf32> to vector<16xf32>
        %parallel_loop3A_214 = arith.addf %parallel_loop3A_209, %parallel_loop3A_213 : vector<16xf32>
        %parallel_loop3A_215 = arith.index_cast %parallel_loop3A_125 : i32 to index
        %parallel_loop3A_216 = arith.constant 96 : index
        %parallel_loop3A_217 = tpu.vector_load %arg15[%parallel_loop3A_215, %parallel_loop3A_216] {strides = array<i32>} : memref<40x144xf32, #tpu.memory_space<vmem>>, vector<1x16xf32>,
        %parallel_loop3A_218 = vector.shape_cast %parallel_loop3A_217 : vector<1x16xf32> to vector<16xf32>
        %parallel_loop3A_219 = vector.shape_cast %parallel_loop3A_214 : vector<16xf32> to vector<1x16xf32>
        tpu.vector_store %arg15[%parallel_loop3A_215, %parallel_loop3A_216], %parallel_loop3A_219 {strides = array<i32>} : memref<40x144xf32, #tpu.memory_space<vmem>>, vector<1x16xf32>,
        %parallel_loop3A_220 = arith.index_cast %parallel_loop3A_125 : i32 to index
        %parallel_loop3A_221 = arith.constant 96 : index
        %parallel_loop3A_222 = tpu.vector_load %arg9[%parallel_loop3A_220, %parallel_loop3A_221] {strides = array<i32>} : memref<40x128xf32, #tpu.memory_space<vmem>>, vector<1x16xf32>,
        %parallel_loop3A_223 = vector.shape_cast %parallel_loop3A_222 : vector<1x16xf32> to vector<16xf32>
        %parallel_loop3A_224 = arith.index_cast %parallel_loop3A_125 : i32 to index
        %parallel_loop3A_225 = arith.constant 96 : index
        %parallel_loop3A_226 = tpu.vector_load %arg11[%parallel_loop3A_224, %parallel_loop3A_225] {strides = array<i32>} : memref<40x128xf32, #tpu.memory_space<vmem>>, vector<1x16xf32>,
        %parallel_loop3A_227 = vector.shape_cast %parallel_loop3A_226 : vector<1x16xf32> to vector<16xf32>
        %parallel_loop3A_228 = arith.addf %parallel_loop3A_223, %parallel_loop3A_227 : vector<16xf32>
        %parallel_loop3A_229 = arith.index_cast %parallel_loop3A_125 : i32 to index
        %parallel_loop3A_230 = arith.constant 112 : index
        %parallel_loop3A_231 = tpu.vector_load %arg15[%parallel_loop3A_229, %parallel_loop3A_230] {strides = array<i32>} : memref<40x144xf32, #tpu.memory_space<vmem>>, vector<1x16xf32>,
        %parallel_loop3A_232 = vector.shape_cast %parallel_loop3A_231 : vector<1x16xf32> to vector<16xf32>
        %parallel_loop3A_233 = vector.shape_cast %parallel_loop3A_228 : vector<16xf32> to vector<1x16xf32>
        tpu.vector_store %arg15[%parallel_loop3A_229, %parallel_loop3A_230], %parallel_loop3A_233 {strides = array<i32>} : memref<40x144xf32, #tpu.memory_space<vmem>>, vector<1x16xf32>,
        %parallel_loop3A_234 = arith.index_cast %parallel_loop3A_125 : i32 to index
        %parallel_loop3A_235 = arith.constant 112 : index
        %parallel_loop3A_236 = tpu.vector_load %arg9[%parallel_loop3A_234, %parallel_loop3A_235] {strides = array<i32>} : memref<40x128xf32, #tpu.memory_space<vmem>>, vector<1x16xf32>,
        %parallel_loop3A_237 = vector.shape_cast %parallel_loop3A_236 : vector<1x16xf32> to vector<16xf32>
        %parallel_loop3A_238 = arith.index_cast %parallel_loop3A_125 : i32 to index
        %parallel_loop3A_239 = arith.constant 112 : index
        %parallel_loop3A_240 = tpu.vector_load %arg11[%parallel_loop3A_238, %parallel_loop3A_239] {strides = array<i32>} : memref<40x128xf32, #tpu.memory_space<vmem>>, vector<1x16xf32>,
        %parallel_loop3A_241 = vector.shape_cast %parallel_loop3A_240 : vector<1x16xf32> to vector<16xf32>
        %parallel_loop3A_242 = arith.addf %parallel_loop3A_237, %parallel_loop3A_241 : vector<16xf32>
        %parallel_loop3A_243 = arith.index_cast %parallel_loop3A_125 : i32 to index
        %parallel_loop3A_244 = arith.constant 128 : index
        %parallel_loop3A_245 = tpu.vector_load %arg15[%parallel_loop3A_243, %parallel_loop3A_244] {strides = array<i32>} : memref<40x144xf32, #tpu.memory_space<vmem>>, vector<1x16xf32>,
        %parallel_loop3A_246 = vector.shape_cast %parallel_loop3A_245 : vector<1x16xf32> to vector<16xf32>
        %parallel_loop3A_247 = vector.shape_cast %parallel_loop3A_242 : vector<16xf32> to vector<1x16xf32>
        tpu.vector_store %arg15[%parallel_loop3A_243, %parallel_loop3A_244], %parallel_loop3A_247 {strides = array<i32>} : memref<40x144xf32, #tpu.memory_space<vmem>>, vector<1x16xf32>,
      } {sc.loop_unroll_factor = 2 : i64, sc.parallel_access}
      %dma_start3A_78 = arith.constant 0 : i32
      %dma_start3A_79 = tpu.memref_slice %arg6[%multiple_of3A_59, %dma_start3A_78] : memref<320000x144xf32, #tpu.memory_space<hbm>> -> memref<40x144xf32, #tpu.memory_space<hbm>>
      %dma_start3A_80 = arith.constant 0 : i32
      %dma_start3A_81 = tpu.memref_slice %arg6[%multiple_of3A_59, %dma_start3A_80] : memref<320000x144xf32, #tpu.memory_space<hbm>> -> memref<40x144xf32, #tpu.memory_space<hbm>>
      tpu.enqueue_dma source(%arg15 : memref<40x144xf32, #tpu.memory_space<vmem>>) target(%dma_start3A_81 : memref<40x144xf32, #tpu.memory_space<hbm>>) target_semaphore(%arg23 : memref<!tpu.dma_semaphore, #tpu.memory_space<semaphore_mem>>)
      %lt3A = arith.constant 124 : i32
      %lt3A_82 = arith.cmpi slt, %scan3A_51, %lt3A : i32
      %convert_element_type3A_83 = arith.extui %lt3A_82 : i1 to i32
      %cond3A_84 = arith.constant 0 : i32
      %cond3A_85 = arith.cmpi ne, %convert_element_type3A_83, %cond3A_84 : i32
      scf.if %cond3A_85 {
        %add3A_125 = arith.constant 2 : i32
        %add3A_126 = arith.addi %add3A_55, %add3A_125 : i32
        %mul3A_127 = arith.constant 40 : i32
        %mul3A_128 = arith.muli %add3A_126, %mul3A_127 : i32
        %multiple_of3A_129 = tpu.assume_multiple %mul3A_128, 8 : i32
        %mul3A_130 = arith.constant 40 : i32
        %mul3A_131 = arith.muli %add3A_126, %mul3A_130 : i32
        %add3A_132 = arith.addi %mul3A_2, %mul3A_131 : i32
        %mul3A_133 = arith.constant 16 : i32
        %mul3A_134 = arith.muli %add3A_132, %mul3A_133 : i32
        %multiple_of3A_135 = tpu.assume_multiple %mul3A_134, 8 : i32
        %dma_start3A_136 = tpu.memref_slice %arg7[%multiple_of3A_129] : memref<10000xi32, #tpu.memory_space<vmem>> -> memref<40xi32, #tpu.memory_space<vmem>>
        %dma_start3A_137 = arith.constant 0 : i32
        %dma_start3A_138 = arith.constant 0 : i32
        %dma_start3A_139 = tpu.memref_slice %arg2[%dma_start3A_137, %dma_start3A_138] : memref<10000x128xf32, #tpu.memory_space<hbm>> -> memref<10000x128xf32, #tpu.memory_space<hbm>>
        tpu.enqueue_indirect_dma source(%dma_start3A_139 : memref<10000x128xf32, #tpu.memory_space<hbm>>) target(%arg9 : memref<40x128xf32, #tpu.memory_space<vmem>>) offsets(%dma_start3A_136 : memref<40xi32, #tpu.memory_space<vmem>>) semaphore(%arg17 : memref<!tpu.dma_semaphore, #tpu.memory_space<semaphore_mem>>)
        %dma_start3A_140 = tpu.memref_slice %arg8[%multiple_of3A_129] : memref<10000xi32, #tpu.memory_space<vmem>> -> memref<40xi32, #tpu.memory_space<vmem>>
        %dma_start3A_141 = arith.constant 0 : i32
        %dma_start3A_142 = arith.constant 0 : i32
        %dma_start3A_143 = tpu.memref_slice %arg2[%dma_start3A_141, %dma_start3A_142] : memref<10000x128xf32, #tpu.memory_space<hbm>> -> memref<10000x128xf32, #tpu.memory_space<hbm>>
        tpu.enqueue_indirect_dma source(%dma_start3A_143 : memref<10000x128xf32, #tpu.memory_space<hbm>>) target(%arg11 : memref<40x128xf32, #tpu.memory_space<vmem>>) offsets(%dma_start3A_140 : memref<40xi32, #tpu.memory_space<vmem>>) semaphore(%arg19 : memref<!tpu.dma_semaphore, #tpu.memory_space<semaphore_mem>>)
        %dma_start3A_144 = tpu.memref_slice %arg5[%multiple_of3A_135] : memref<5120000xf32, #tpu.memory_space<hbm>> -> memref<640xf32, #tpu.memory_space<hbm>>
        %dma_start3A_145 = tpu.memref_slice %arg5[%multiple_of3A_135] : memref<5120000xf32, #tpu.memory_space<hbm>> -> memref<640xf32, #tpu.memory_space<hbm>>
        tpu.enqueue_dma source(%dma_start3A_145 : memref<640xf32, #tpu.memory_space<hbm>>) target(%arg13 : memref<640xf32, #tpu.memory_space<vmem>>) target_semaphore(%arg21 : memref<!tpu.dma_semaphore, #tpu.memory_space<semaphore_mem>>)
      } else {
      }
      %mul3A_86 = arith.constant 2 : i32
      %mul3A_87 = arith.muli %mul3A_86, %scan3A_51 : i32
      %add3A_88 = arith.constant 1 : i32
      %add3A_89 = arith.addi %mul3A_87, %add3A_88 : i32
      %mul3A_90 = arith.constant 40 : i32
      %mul3A_91 = arith.muli %add3A_89, %mul3A_90 : i32
      %add3A_92 = arith.addi %mul3A_2, %mul3A_91 : i32
      %multiple_of3A_93 = tpu.assume_multiple %add3A_92, 8 : i32
      %dma_wait3A_94 = arith.constant 0 : i32
      %dma_wait3A_95 = tpu.memref_slice %arg7[%dma_wait3A_94] : memref<10000xi32, #tpu.memory_space<vmem>> -> memref<40xi32, #tpu.memory_space<vmem>>
      %dma_wait3A_96 = arith.constant 0 : i32
      %dma_wait3A_97 = arith.constant 0 : i32
      %dma_wait3A_98 = tpu.memref_slice %arg2[%dma_wait3A_96, %dma_wait3A_97] : memref<10000x128xf32, #tpu.memory_space<hbm>> -> memref<10000x128xf32, #tpu.memory_space<hbm>>
      tpu.wait_indirect_dma semaphore(%arg18 : memref<!tpu.dma_semaphore, #tpu.memory_space<semaphore_mem>>) src(%dma_wait3A_98 : memref<10000x128xf32, #tpu.memory_space<hbm>>) dst(%arg10 : memref<40x128xf32, #tpu.memory_space<vmem>>)
      %dma_wait3A_99 = arith.constant 0 : i32
      %dma_wait3A_100 = tpu.memref_slice %arg8[%dma_wait3A_99] : memref<10000xi32, #tpu.memory_space<vmem>> -> memref<40xi32, #tpu.memory_space<vmem>>
      %dma_wait3A_101 = arith.constant 0 : i32
      %dma_wait3A_102 = arith.constant 0 : i32
      %dma_wait3A_103 = tpu.memref_slice %arg2[%dma_wait3A_101, %dma_wait3A_102] : memref<10000x128xf32, #tpu.memory_space<hbm>> -> memref<10000x128xf32, #tpu.memory_space<hbm>>
      tpu.wait_indirect_dma semaphore(%arg20 : memref<!tpu.dma_semaphore, #tpu.memory_space<semaphore_mem>>) src(%dma_wait3A_103 : memref<10000x128xf32, #tpu.memory_space<hbm>>) dst(%arg12 : memref<40x128xf32, #tpu.memory_space<vmem>>)
      %dma_wait3A_104 = arith.constant 0 : i32
      %dma_wait3A_105 = tpu.memref_slice %arg5[%dma_wait3A_104] : memref<5120000xf32, #tpu.memory_space<hbm>> -> memref<640xf32, #tpu.memory_space<hbm>>
      %dma_wait3A_106 = arith.constant 0 : i32
      %dma_wait3A_107 = tpu.memref_slice %arg5[%dma_wait3A_106] : memref<5120000xf32, #tpu.memory_space<hbm>> -> memref<640xf32, #tpu.memory_space<hbm>>
      tpu.wait_dma2 semaphore(%arg22 : memref<!tpu.dma_semaphore, #tpu.memory_space<semaphore_mem>>) src(%dma_wait3A_107 : memref<640xf32, #tpu.memory_space<hbm>>) dst(%arg14 : memref<640xf32, #tpu.memory_space<vmem>>)
      %ge3A_108 = arith.constant 1 : i32
      %ge3A_109 = arith.cmpi sge, %scan3A_51, %ge3A_108 : i32
      %convert_element_type3A_110 = arith.extui %ge3A_109 : i1 to i32
      %cond3A_111 = arith.constant 0 : i32
      %cond3A_112 = arith.cmpi ne, %convert_element_type3A_110, %cond3A_111 : i32
      scf.if %cond3A_112 {
        %dma_wait3A_125 = arith.constant 0 : i32
        %dma_wait3A_126 = arith.constant 0 : i32
        %dma_wait3A_127 = tpu.memref_slice %arg6[%dma_wait3A_125, %dma_wait3A_126] : memref<320000x144xf32, #tpu.memory_space<hbm>> -> memref<40x144xf32, #tpu.memory_space<hbm>>
        %dma_wait3A_128 = arith.constant 0 : i32
        %dma_wait3A_129 = arith.constant 0 : i32
        %dma_wait3A_130 = tpu.memref_slice %arg6[%dma_wait3A_128, %dma_wait3A_129] : memref<320000x144xf32, #tpu.memory_space<hbm>> -> memref<40x144xf32, #tpu.memory_space<hbm>>
        tpu.wait_dma2 semaphore(%arg24 : memref<!tpu.dma_semaphore, #tpu.memory_space<semaphore_mem>>) src(%arg16 : memref<40x144xf32, #tpu.memory_space<vmem>>) dst(%dma_wait3A_130 : memref<40x144xf32, #tpu.memory_space<hbm>>)
      } else {
      }
      %parallel_loop3A_113 = arith.constant 0 : i32
      %parallel_loop3A_114 = arith.constant 40 : i32
      %parallel_loop3A_115 = arith.constant 1 : i32
      scf.for %parallel_loop3A_125 = %parallel_loop3A_113 to %parallel_loop3A_114 step %parallel_loop3A_115  : i32 {
        %parallel_loop3A_126 = arith.constant 16 : i32
        %parallel_loop3A_127 = arith.muli %parallel_loop3A_125, %parallel_loop3A_126 : i32
        %parallel_loop3A_128 = arith.index_cast %parallel_loop3A_127 : i32 to index
        %parallel_loop3A_129 = tpu.vector_load %arg14[%parallel_loop3A_128] {strides = array<i32>} : memref<640xf32, #tpu.memory_space<vmem>>, vector<16xf32>,
        %parallel_loop3A_130 = vector.shape_cast %parallel_loop3A_129 : vector<16xf32> to vector<16xf32>
        %parallel_loop3A_131 = arith.index_cast %parallel_loop3A_125 : i32 to index
        %parallel_loop3A_132 = arith.constant 0 : index
        %parallel_loop3A_133 = tpu.vector_load %arg16[%parallel_loop3A_131, %parallel_loop3A_132] {strides = array<i32>} : memref<40x144xf32, #tpu.memory_space<vmem>>, vector<1x16xf32>,
        %parallel_loop3A_134 = vector.shape_cast %parallel_loop3A_133 : vector<1x16xf32> to vector<16xf32>
        %parallel_loop3A_135 = vector.shape_cast %parallel_loop3A_130 : vector<16xf32> to vector<1x16xf32>
        tpu.vector_store %arg16[%parallel_loop3A_131, %parallel_loop3A_132], %parallel_loop3A_135 {strides = array<i32>} : memref<40x144xf32, #tpu.memory_space<vmem>>, vector<1x16xf32>,
        %parallel_loop3A_136 = arith.index_cast %parallel_loop3A_125 : i32 to index
        %parallel_loop3A_137 = arith.constant 0 : index
        %parallel_loop3A_138 = tpu.vector_load %arg10[%parallel_loop3A_136, %parallel_loop3A_137] {strides = array<i32>} : memref<40x128xf32, #tpu.memory_space<vmem>>, vector<1x16xf32>,
        %parallel_loop3A_139 = vector.shape_cast %parallel_loop3A_138 : vector<1x16xf32> to vector<16xf32>
        %parallel_loop3A_140 = arith.index_cast %parallel_loop3A_125 : i32 to index
        %parallel_loop3A_141 = arith.constant 0 : index
        %parallel_loop3A_142 = tpu.vector_load %arg12[%parallel_loop3A_140, %parallel_loop3A_141] {strides = array<i32>} : memref<40x128xf32, #tpu.memory_space<vmem>>, vector<1x16xf32>,
        %parallel_loop3A_143 = vector.shape_cast %parallel_loop3A_142 : vector<1x16xf32> to vector<16xf32>
        %parallel_loop3A_144 = arith.addf %parallel_loop3A_139, %parallel_loop3A_143 : vector<16xf32>
        %parallel_loop3A_145 = arith.index_cast %parallel_loop3A_125 : i32 to index
        %parallel_loop3A_146 = arith.constant 16 : index
        %parallel_loop3A_147 = tpu.vector_load %arg16[%parallel_loop3A_145, %parallel_loop3A_146] {strides = array<i32>} : memref<40x144xf32, #tpu.memory_space<vmem>>, vector<1x16xf32>,
        %parallel_loop3A_148 = vector.shape_cast %parallel_loop3A_147 : vector<1x16xf32> to vector<16xf32>
        %parallel_loop3A_149 = vector.shape_cast %parallel_loop3A_144 : vector<16xf32> to vector<1x16xf32>
        tpu.vector_store %arg16[%parallel_loop3A_145, %parallel_loop3A_146], %parallel_loop3A_149 {strides = array<i32>} : memref<40x144xf32, #tpu.memory_space<vmem>>, vector<1x16xf32>,
        %parallel_loop3A_150 = arith.index_cast %parallel_loop3A_125 : i32 to index
        %parallel_loop3A_151 = arith.constant 16 : index
        %parallel_loop3A_152 = tpu.vector_load %arg10[%parallel_loop3A_150, %parallel_loop3A_151] {strides = array<i32>} : memref<40x128xf32, #tpu.memory_space<vmem>>, vector<1x16xf32>,
        %parallel_loop3A_153 = vector.shape_cast %parallel_loop3A_152 : vector<1x16xf32> to vector<16xf32>
        %parallel_loop3A_154 = arith.index_cast %parallel_loop3A_125 : i32 to index
        %parallel_loop3A_155 = arith.constant 16 : index
        %parallel_loop3A_156 = tpu.vector_load %arg12[%parallel_loop3A_154, %parallel_loop3A_155] {strides = array<i32>} : memref<40x128xf32, #tpu.memory_space<vmem>>, vector<1x16xf32>,
        %parallel_loop3A_157 = vector.shape_cast %parallel_loop3A_156 : vector<1x16xf32> to vector<16xf32>
        %parallel_loop3A_158 = arith.addf %parallel_loop3A_153, %parallel_loop3A_157 : vector<16xf32>
        %parallel_loop3A_159 = arith.index_cast %parallel_loop3A_125 : i32 to index
        %parallel_loop3A_160 = arith.constant 32 : index
        %parallel_loop3A_161 = tpu.vector_load %arg16[%parallel_loop3A_159, %parallel_loop3A_160] {strides = array<i32>} : memref<40x144xf32, #tpu.memory_space<vmem>>, vector<1x16xf32>,
        %parallel_loop3A_162 = vector.shape_cast %parallel_loop3A_161 : vector<1x16xf32> to vector<16xf32>
        %parallel_loop3A_163 = vector.shape_cast %parallel_loop3A_158 : vector<16xf32> to vector<1x16xf32>
        tpu.vector_store %arg16[%parallel_loop3A_159, %parallel_loop3A_160], %parallel_loop3A_163 {strides = array<i32>} : memref<40x144xf32, #tpu.memory_space<vmem>>, vector<1x16xf32>,
        %parallel_loop3A_164 = arith.index_cast %parallel_loop3A_125 : i32 to index
        %parallel_loop3A_165 = arith.constant 32 : index
        %parallel_loop3A_166 = tpu.vector_load %arg10[%parallel_loop3A_164, %parallel_loop3A_165] {strides = array<i32>} : memref<40x128xf32, #tpu.memory_space<vmem>>, vector<1x16xf32>,
        %parallel_loop3A_167 = vector.shape_cast %parallel_loop3A_166 : vector<1x16xf32> to vector<16xf32>
        %parallel_loop3A_168 = arith.index_cast %parallel_loop3A_125 : i32 to index
        %parallel_loop3A_169 = arith.constant 32 : index
        %parallel_loop3A_170 = tpu.vector_load %arg12[%parallel_loop3A_168, %parallel_loop3A_169] {strides = array<i32>} : memref<40x128xf32, #tpu.memory_space<vmem>>, vector<1x16xf32>,
        %parallel_loop3A_171 = vector.shape_cast %parallel_loop3A_170 : vector<1x16xf32> to vector<16xf32>
        %parallel_loop3A_172 = arith.addf %parallel_loop3A_167, %parallel_loop3A_171 : vector<16xf32>
        %parallel_loop3A_173 = arith.index_cast %parallel_loop3A_125 : i32 to index
        %parallel_loop3A_174 = arith.constant 48 : index
        %parallel_loop3A_175 = tpu.vector_load %arg16[%parallel_loop3A_173, %parallel_loop3A_174] {strides = array<i32>} : memref<40x144xf32, #tpu.memory_space<vmem>>, vector<1x16xf32>,
        %parallel_loop3A_176 = vector.shape_cast %parallel_loop3A_175 : vector<1x16xf32> to vector<16xf32>
        %parallel_loop3A_177 = vector.shape_cast %parallel_loop3A_172 : vector<16xf32> to vector<1x16xf32>
        tpu.vector_store %arg16[%parallel_loop3A_173, %parallel_loop3A_174], %parallel_loop3A_177 {strides = array<i32>} : memref<40x144xf32, #tpu.memory_space<vmem>>, vector<1x16xf32>,
        %parallel_loop3A_178 = arith.index_cast %parallel_loop3A_125 : i32 to index
        %parallel_loop3A_179 = arith.constant 48 : index
        %parallel_loop3A_180 = tpu.vector_load %arg10[%parallel_loop3A_178, %parallel_loop3A_179] {strides = array<i32>} : memref<40x128xf32, #tpu.memory_space<vmem>>, vector<1x16xf32>,
        %parallel_loop3A_181 = vector.shape_cast %parallel_loop3A_180 : vector<1x16xf32> to vector<16xf32>
        %parallel_loop3A_182 = arith.index_cast %parallel_loop3A_125 : i32 to index
        %parallel_loop3A_183 = arith.constant 48 : index
        %parallel_loop3A_184 = tpu.vector_load %arg12[%parallel_loop3A_182, %parallel_loop3A_183] {strides = array<i32>} : memref<40x128xf32, #tpu.memory_space<vmem>>, vector<1x16xf32>,
        %parallel_loop3A_185 = vector.shape_cast %parallel_loop3A_184 : vector<1x16xf32> to vector<16xf32>
        %parallel_loop3A_186 = arith.addf %parallel_loop3A_181, %parallel_loop3A_185 : vector<16xf32>
        %parallel_loop3A_187 = arith.index_cast %parallel_loop3A_125 : i32 to index
        %parallel_loop3A_188 = arith.constant 64 : index
        %parallel_loop3A_189 = tpu.vector_load %arg16[%parallel_loop3A_187, %parallel_loop3A_188] {strides = array<i32>} : memref<40x144xf32, #tpu.memory_space<vmem>>, vector<1x16xf32>,
        %parallel_loop3A_190 = vector.shape_cast %parallel_loop3A_189 : vector<1x16xf32> to vector<16xf32>
        %parallel_loop3A_191 = vector.shape_cast %parallel_loop3A_186 : vector<16xf32> to vector<1x16xf32>
        tpu.vector_store %arg16[%parallel_loop3A_187, %parallel_loop3A_188], %parallel_loop3A_191 {strides = array<i32>} : memref<40x144xf32, #tpu.memory_space<vmem>>, vector<1x16xf32>,
        %parallel_loop3A_192 = arith.index_cast %parallel_loop3A_125 : i32 to index
        %parallel_loop3A_193 = arith.constant 64 : index
        %parallel_loop3A_194 = tpu.vector_load %arg10[%parallel_loop3A_192, %parallel_loop3A_193] {strides = array<i32>} : memref<40x128xf32, #tpu.memory_space<vmem>>, vector<1x16xf32>,
        %parallel_loop3A_195 = vector.shape_cast %parallel_loop3A_194 : vector<1x16xf32> to vector<16xf32>
        %parallel_loop3A_196 = arith.index_cast %parallel_loop3A_125 : i32 to index
        %parallel_loop3A_197 = arith.constant 64 : index
        %parallel_loop3A_198 = tpu.vector_load %arg12[%parallel_loop3A_196, %parallel_loop3A_197] {strides = array<i32>} : memref<40x128xf32, #tpu.memory_space<vmem>>, vector<1x16xf32>,
        %parallel_loop3A_199 = vector.shape_cast %parallel_loop3A_198 : vector<1x16xf32> to vector<16xf32>
        %parallel_loop3A_200 = arith.addf %parallel_loop3A_195, %parallel_loop3A_199 : vector<16xf32>
        %parallel_loop3A_201 = arith.index_cast %parallel_loop3A_125 : i32 to index
        %parallel_loop3A_202 = arith.constant 80 : index
        %parallel_loop3A_203 = tpu.vector_load %arg16[%parallel_loop3A_201, %parallel_loop3A_202] {strides = array<i32>} : memref<40x144xf32, #tpu.memory_space<vmem>>, vector<1x16xf32>,
        %parallel_loop3A_204 = vector.shape_cast %parallel_loop3A_203 : vector<1x16xf32> to vector<16xf32>
        %parallel_loop3A_205 = vector.shape_cast %parallel_loop3A_200 : vector<16xf32> to vector<1x16xf32>
        tpu.vector_store %arg16[%parallel_loop3A_201, %parallel_loop3A_202], %parallel_loop3A_205 {strides = array<i32>} : memref<40x144xf32, #tpu.memory_space<vmem>>, vector<1x16xf32>,
        %parallel_loop3A_206 = arith.index_cast %parallel_loop3A_125 : i32 to index
        %parallel_loop3A_207 = arith.constant 80 : index
        %parallel_loop3A_208 = tpu.vector_load %arg10[%parallel_loop3A_206, %parallel_loop3A_207] {strides = array<i32>} : memref<40x128xf32, #tpu.memory_space<vmem>>, vector<1x16xf32>,
        %parallel_loop3A_209 = vector.shape_cast %parallel_loop3A_208 : vector<1x16xf32> to vector<16xf32>
        %parallel_loop3A_210 = arith.index_cast %parallel_loop3A_125 : i32 to index
        %parallel_loop3A_211 = arith.constant 80 : index
        %parallel_loop3A_212 = tpu.vector_load %arg12[%parallel_loop3A_210, %parallel_loop3A_211] {strides = array<i32>} : memref<40x128xf32, #tpu.memory_space<vmem>>, vector<1x16xf32>,
        %parallel_loop3A_213 = vector.shape_cast %parallel_loop3A_212 : vector<1x16xf32> to vector<16xf32>
        %parallel_loop3A_214 = arith.addf %parallel_loop3A_209, %parallel_loop3A_213 : vector<16xf32>
        %parallel_loop3A_215 = arith.index_cast %parallel_loop3A_125 : i32 to index
        %parallel_loop3A_216 = arith.constant 96 : index
        %parallel_loop3A_217 = tpu.vector_load %arg16[%parallel_loop3A_215, %parallel_loop3A_216] {strides = array<i32>} : memref<40x144xf32, #tpu.memory_space<vmem>>, vector<1x16xf32>,
        %parallel_loop3A_218 = vector.shape_cast %parallel_loop3A_217 : vector<1x16xf32> to vector<16xf32>
        %parallel_loop3A_219 = vector.shape_cast %parallel_loop3A_214 : vector<16xf32> to vector<1x16xf32>
        tpu.vector_store %arg16[%parallel_loop3A_215, %parallel_loop3A_216], %parallel_loop3A_219 {strides = array<i32>} : memref<40x144xf32, #tpu.memory_space<vmem>>, vector<1x16xf32>,
        %parallel_loop3A_220 = arith.index_cast %parallel_loop3A_125 : i32 to index
        %parallel_loop3A_221 = arith.constant 96 : index
        %parallel_loop3A_222 = tpu.vector_load %arg10[%parallel_loop3A_220, %parallel_loop3A_221] {strides = array<i32>} : memref<40x128xf32, #tpu.memory_space<vmem>>, vector<1x16xf32>,
        %parallel_loop3A_223 = vector.shape_cast %parallel_loop3A_222 : vector<1x16xf32> to vector<16xf32>
        %parallel_loop3A_224 = arith.index_cast %parallel_loop3A_125 : i32 to index
        %parallel_loop3A_225 = arith.constant 96 : index
        %parallel_loop3A_226 = tpu.vector_load %arg12[%parallel_loop3A_224, %parallel_loop3A_225] {strides = array<i32>} : memref<40x128xf32, #tpu.memory_space<vmem>>, vector<1x16xf32>,
        %parallel_loop3A_227 = vector.shape_cast %parallel_loop3A_226 : vector<1x16xf32> to vector<16xf32>
        %parallel_loop3A_228 = arith.addf %parallel_loop3A_223, %parallel_loop3A_227 : vector<16xf32>
        %parallel_loop3A_229 = arith.index_cast %parallel_loop3A_125 : i32 to index
        %parallel_loop3A_230 = arith.constant 112 : index
        %parallel_loop3A_231 = tpu.vector_load %arg16[%parallel_loop3A_229, %parallel_loop3A_230] {strides = array<i32>} : memref<40x144xf32, #tpu.memory_space<vmem>>, vector<1x16xf32>,
        %parallel_loop3A_232 = vector.shape_cast %parallel_loop3A_231 : vector<1x16xf32> to vector<16xf32>
        %parallel_loop3A_233 = vector.shape_cast %parallel_loop3A_228 : vector<16xf32> to vector<1x16xf32>
        tpu.vector_store %arg16[%parallel_loop3A_229, %parallel_loop3A_230], %parallel_loop3A_233 {strides = array<i32>} : memref<40x144xf32, #tpu.memory_space<vmem>>, vector<1x16xf32>,
        %parallel_loop3A_234 = arith.index_cast %parallel_loop3A_125 : i32 to index
        %parallel_loop3A_235 = arith.constant 112 : index
        %parallel_loop3A_236 = tpu.vector_load %arg10[%parallel_loop3A_234, %parallel_loop3A_235] {strides = array<i32>} : memref<40x128xf32, #tpu.memory_space<vmem>>, vector<1x16xf32>,
        %parallel_loop3A_237 = vector.shape_cast %parallel_loop3A_236 : vector<1x16xf32> to vector<16xf32>
        %parallel_loop3A_238 = arith.index_cast %parallel_loop3A_125 : i32 to index
        %parallel_loop3A_239 = arith.constant 112 : index
        %parallel_loop3A_240 = tpu.vector_load %arg12[%parallel_loop3A_238, %parallel_loop3A_239] {strides = array<i32>} : memref<40x128xf32, #tpu.memory_space<vmem>>, vector<1x16xf32>,
        %parallel_loop3A_241 = vector.shape_cast %parallel_loop3A_240 : vector<1x16xf32> to vector<16xf32>
        %parallel_loop3A_242 = arith.addf %parallel_loop3A_237, %parallel_loop3A_241 : vector<16xf32>
        %parallel_loop3A_243 = arith.index_cast %parallel_loop3A_125 : i32 to index
        %parallel_loop3A_244 = arith.constant 128 : index
        %parallel_loop3A_245 = tpu.vector_load %arg16[%parallel_loop3A_243, %parallel_loop3A_244] {strides = array<i32>} : memref<40x144xf32, #tpu.memory_space<vmem>>, vector<1x16xf32>,
        %parallel_loop3A_246 = vector.shape_cast %parallel_loop3A_245 : vector<1x16xf32> to vector<16xf32>
        %parallel_loop3A_247 = vector.shape_cast %parallel_loop3A_242 : vector<16xf32> to vector<1x16xf32>
        tpu.vector_store %arg16[%parallel_loop3A_243, %parallel_loop3A_244], %parallel_loop3A_247 {strides = array<i32>} : memref<40x144xf32, #tpu.memory_space<vmem>>, vector<1x16xf32>,
      } {sc.loop_unroll_factor = 2 : i64, sc.parallel_access}
      %dma_start3A_116 = arith.constant 0 : i32
      %dma_start3A_117 = tpu.memref_slice %arg6[%multiple_of3A_93, %dma_start3A_116] : memref<320000x144xf32, #tpu.memory_space<hbm>> -> memref<40x144xf32, #tpu.memory_space<hbm>>
      %dma_start3A_118 = arith.constant 0 : i32
      %dma_start3A_119 = tpu.memref_slice %arg6[%multiple_of3A_93, %dma_start3A_118] : memref<320000x144xf32, #tpu.memory_space<hbm>> -> memref<40x144xf32, #tpu.memory_space<hbm>>
      tpu.enqueue_dma source(%arg16 : memref<40x144xf32, #tpu.memory_space<vmem>>) target(%dma_start3A_119 : memref<40x144xf32, #tpu.memory_space<hbm>>) target_semaphore(%arg24 : memref<!tpu.dma_semaphore, #tpu.memory_space<semaphore_mem>>)
      %lt3A_120 = arith.constant 124 : i32
      %lt3A_121 = arith.cmpi slt, %scan3A_51, %lt3A_120 : i32
      %convert_element_type3A_122 = arith.extui %lt3A_121 : i1 to i32
      %cond3A_123 = arith.constant 0 : i32
      %cond3A_124 = arith.cmpi ne, %convert_element_type3A_122, %cond3A_123 : i32
      scf.if %cond3A_124 {
        %add3A_125 = arith.constant 2 : i32
        %add3A_126 = arith.addi %add3A_89, %add3A_125 : i32
        %mul3A_127 = arith.constant 40 : i32
        %mul3A_128 = arith.muli %add3A_126, %mul3A_127 : i32
        %multiple_of3A_129 = tpu.assume_multiple %mul3A_128, 8 : i32
        %mul3A_130 = arith.constant 40 : i32
        %mul3A_131 = arith.muli %add3A_126, %mul3A_130 : i32
        %add3A_132 = arith.addi %mul3A_2, %mul3A_131 : i32
        %mul3A_133 = arith.constant 16 : i32
        %mul3A_134 = arith.muli %add3A_132, %mul3A_133 : i32
        %multiple_of3A_135 = tpu.assume_multiple %mul3A_134, 8 : i32
        %dma_start3A_136 = tpu.memref_slice %arg7[%multiple_of3A_129] : memref<10000xi32, #tpu.memory_space<vmem>> -> memref<40xi32, #tpu.memory_space<vmem>>
        %dma_start3A_137 = arith.constant 0 : i32
        %dma_start3A_138 = arith.constant 0 : i32
        %dma_start3A_139 = tpu.memref_slice %arg2[%dma_start3A_137, %dma_start3A_138] : memref<10000x128xf32, #tpu.memory_space<hbm>> -> memref<10000x128xf32, #tpu.memory_space<hbm>>
        tpu.enqueue_indirect_dma source(%dma_start3A_139 : memref<10000x128xf32, #tpu.memory_space<hbm>>) target(%arg10 : memref<40x128xf32, #tpu.memory_space<vmem>>) offsets(%dma_start3A_136 : memref<40xi32, #tpu.memory_space<vmem>>) semaphore(%arg18 : memref<!tpu.dma_semaphore, #tpu.memory_space<semaphore_mem>>)
        %dma_start3A_140 = tpu.memref_slice %arg8[%multiple_of3A_129] : memref<10000xi32, #tpu.memory_space<vmem>> -> memref<40xi32, #tpu.memory_space<vmem>>
        %dma_start3A_141 = arith.constant 0 : i32
        %dma_start3A_142 = arith.constant 0 : i32
        %dma_start3A_143 = tpu.memref_slice %arg2[%dma_start3A_141, %dma_start3A_142] : memref<10000x128xf32, #tpu.memory_space<hbm>> -> memref<10000x128xf32, #tpu.memory_space<hbm>>
        tpu.enqueue_indirect_dma source(%dma_start3A_143 : memref<10000x128xf32, #tpu.memory_space<hbm>>) target(%arg12 : memref<40x128xf32, #tpu.memory_space<vmem>>) offsets(%dma_start3A_140 : memref<40xi32, #tpu.memory_space<vmem>>) semaphore(%arg20 : memref<!tpu.dma_semaphore, #tpu.memory_space<semaphore_mem>>)
        %dma_start3A_144 = tpu.memref_slice %arg5[%multiple_of3A_135] : memref<5120000xf32, #tpu.memory_space<hbm>> -> memref<640xf32, #tpu.memory_space<hbm>>
        %dma_start3A_145 = tpu.memref_slice %arg5[%multiple_of3A_135] : memref<5120000xf32, #tpu.memory_space<hbm>> -> memref<640xf32, #tpu.memory_space<hbm>>
        tpu.enqueue_dma source(%dma_start3A_145 : memref<640xf32, #tpu.memory_space<hbm>>) target(%arg14 : memref<640xf32, #tpu.memory_space<vmem>>) target_semaphore(%arg22 : memref<!tpu.dma_semaphore, #tpu.memory_space<semaphore_mem>>)
      } else {
      }
    }
    %scan3A_39 = arith.constant 125 : i32
    %dma_wait3A = arith.constant 0 : i32
    %dma_wait3A_40 = arith.constant 0 : i32
    %dma_wait3A_41 = tpu.memref_slice %arg6[%dma_wait3A, %dma_wait3A_40] : memref<320000x144xf32, #tpu.memory_space<hbm>> -> memref<40x144xf32, #tpu.memory_space<hbm>>
    %dma_wait3A_42 = arith.constant 0 : i32
    %dma_wait3A_43 = arith.constant 0 : i32
    %dma_wait3A_44 = tpu.memref_slice %arg6[%dma_wait3A_42, %dma_wait3A_43] : memref<320000x144xf32, #tpu.memory_space<hbm>> -> memref<40x144xf32, #tpu.memory_space<hbm>>
    tpu.wait_dma2 semaphore(%arg23 : memref<!tpu.dma_semaphore, #tpu.memory_space<semaphore_mem>>) src(%arg15 : memref<40x144xf32, #tpu.memory_space<vmem>>) dst(%dma_wait3A_44 : memref<40x144xf32, #tpu.memory_space<hbm>>)
    %dma_wait3A_45 = arith.constant 0 : i32
    %dma_wait3A_46 = arith.constant 0 : i32
    %dma_wait3A_47 = tpu.memref_slice %arg6[%dma_wait3A_45, %dma_wait3A_46] : memref<320000x144xf32, #tpu.memory_space<hbm>> -> memref<40x144xf32, #tpu.memory_space<hbm>>
    %dma_wait3A_48 = arith.constant 0 : i32
    %dma_wait3A_49 = arith.constant 0 : i32
    %dma_wait3A_50 = tpu.memref_slice %arg6[%dma_wait3A_48, %dma_wait3A_49] : memref<320000x144xf32, #tpu.memory_space<hbm>> -> memref<40x144xf32, #tpu.memory_space<hbm>>
    tpu.wait_dma2 semaphore(%arg24 : memref<!tpu.dma_semaphore, #tpu.memory_space<semaphore_mem>>) src(%arg16 : memref<40x144xf32, #tpu.memory_space<vmem>>) dst(%dma_wait3A_50 : memref<40x144xf32, #tpu.memory_space<hbm>>)
    return
  }
}

module attributes {stable_mosaic.version = 14 : i64} {
  func.func @_mm_bias_body(%arg0: i32, %arg1: memref<2000x128xf32, #tpu.memory_space<vmem>>, %arg2: memref<128x128xf32, #tpu.memory_space<vmem>>, %arg3: memref<1x128xf32, #tpu.memory_space<vmem>>, %arg4: memref<2000x128xf32, #tpu.memory_space<vmem>>) attributes {dimension_semantics = [#tpu.dimension_semantics<arbitrary>], iteration_bounds = array<i64: 5>, scalar_prefetch = 0 : i64, scratch_operands = 0 : i64, tpu.core_type = #tpu.core_type<tc>, window_params = [{transform_indices = @transform_0, window_bounds = array<i64: 2000, 128>}, {pipeline_mode = #tpu.pipeline_mode<synchronous>, transform_indices = @transform_1, window_bounds = array<i64: 128, 128>}, {pipeline_mode = #tpu.pipeline_mode<synchronous>, transform_indices = @transform_2, window_bounds = array<i64: 1, 128>}, {transform_indices = @transform_3, window_bounds = array<i64: 2000, 128>}]} {
    %get3A = arith.constant 0 : index
    %get3A_0 = arith.constant 0 : index
    %get3A_1 = vector.load %arg1[%get3A, %get3A_0] : memref<2000x128xf32, #tpu.memory_space<vmem>>, vector<2000x128xf32>
    %get3A_2 = arith.constant 0 : index
    %get3A_3 = arith.constant 0 : index
    %get3A_4 = vector.load %arg2[%get3A_2, %get3A_3] : memref<128x128xf32, #tpu.memory_space<vmem>>, vector<128x128xf32>
    %dot_general3A = arith.constant dense<0.000000e+00> : vector<2000x128xf32>
    %dot_general3A_5 = tpu.matmul %get3A_1, %get3A_4, %dot_general3A {dimension_numbers = #tpu.dot_dimension_numbers<[1], [0], [0], [1], [0, 0, 1, 1], [], []>, transpose_lhs_hint = false} : vector<2000x128xf32>, vector<128x128xf32>, vector<2000x128xf32> -> vector<2000x128xf32>
    %get3A_6 = arith.constant 0 : index
    %get3A_7 = arith.constant 0 : index
    %get3A_8 = vector.load %arg3[%get3A_6, %get3A_7] : memref<1x128xf32, #tpu.memory_space<vmem>>, vector<1x128xf32>
    %add3A = vector.broadcast %get3A_8 : vector<1x128xf32> to vector<2000x128xf32>
    %add3A_9 = arith.addf %dot_general3A_5, %add3A : vector<2000x128xf32>
    %swap3A = arith.constant 0 : index
    %swap3A_10 = arith.constant 0 : index
    %swap3A_11 = vector.load %arg4[%swap3A, %swap3A_10] : memref<2000x128xf32, #tpu.memory_space<vmem>>, vector<2000x128xf32>
    tpu.vector_store %arg4[%swap3A, %swap3A_10], %add3A_9 {strides = array<i32>} : memref<2000x128xf32, #tpu.memory_space<vmem>>, vector<2000x128xf32>,
    return
  }
  func.func @transform_0(%arg0: i32) -> (i32, i32) {
    %c0_i32 = arith.constant 0 : i32
    %c0_i32_0 = arith.constant 0 : i32
    return %arg0, %c0_i32 : i32, i32
  }
  func.func @transform_1(%arg0: i32) -> (i32, i32) {
    %c0_i32 = arith.constant 0 : i32
    %c0_i32_0 = arith.constant 0 : i32
    %c0_i32_1 = arith.constant 0 : i32
    return %c0_i32, %c0_i32_0 : i32, i32
  }
  func.func @transform_2(%arg0: i32) -> (i32, i32) {
    %c0_i32 = arith.constant 0 : i32
    %c0_i32_0 = arith.constant 0 : i32
    %c0_i32_1 = arith.constant 0 : i32
    return %c0_i32, %c0_i32_0 : i32, i32
  }
  func.func @transform_3(%arg0: i32) -> (i32, i32) {
    %c0_i32 = arith.constant 0 : i32
    %c0_i32_0 = arith.constant 0 : i32
    return %arg0, %c0_i32 : i32, i32
  }
}

module attributes {stable_mosaic.version = 14 : i64} {
  func.func @_mm_bias_body(%arg0: i32, %arg1: memref<4000x128xf32, #tpu.memory_space<vmem>>, %arg2: memref<128x128xf32, #tpu.memory_space<vmem>>, %arg3: memref<1x128xf32, #tpu.memory_space<vmem>>, %arg4: memref<4000x128xf32, #tpu.memory_space<vmem>>) attributes {dimension_semantics = [#tpu.dimension_semantics<arbitrary>], iteration_bounds = array<i64: 10>, scalar_prefetch = 0 : i64, scratch_operands = 0 : i64, tpu.core_type = #tpu.core_type<tc>, window_params = [{transform_indices = @transform_0, window_bounds = array<i64: 4000, 128>}, {pipeline_mode = #tpu.pipeline_mode<synchronous>, transform_indices = @transform_1, window_bounds = array<i64: 128, 128>}, {pipeline_mode = #tpu.pipeline_mode<synchronous>, transform_indices = @transform_2, window_bounds = array<i64: 1, 128>}, {transform_indices = @transform_3, window_bounds = array<i64: 4000, 128>}]} {
    %get3A = arith.constant 0 : index
    %get3A_0 = arith.constant 0 : index
    %get3A_1 = vector.load %arg1[%get3A, %get3A_0] : memref<4000x128xf32, #tpu.memory_space<vmem>>, vector<4000x128xf32>
    %get3A_2 = arith.constant 0 : index
    %get3A_3 = arith.constant 0 : index
    %get3A_4 = vector.load %arg2[%get3A_2, %get3A_3] : memref<128x128xf32, #tpu.memory_space<vmem>>, vector<128x128xf32>
    %dot_general3A = arith.constant dense<0.000000e+00> : vector<4000x128xf32>
    %dot_general3A_5 = tpu.matmul %get3A_1, %get3A_4, %dot_general3A {dimension_numbers = #tpu.dot_dimension_numbers<[1], [0], [0], [1], [0, 0, 1, 1], [], []>, transpose_lhs_hint = false} : vector<4000x128xf32>, vector<128x128xf32>, vector<4000x128xf32> -> vector<4000x128xf32>
    %get3A_6 = arith.constant 0 : index
    %get3A_7 = arith.constant 0 : index
    %get3A_8 = vector.load %arg3[%get3A_6, %get3A_7] : memref<1x128xf32, #tpu.memory_space<vmem>>, vector<1x128xf32>
    %add3A = vector.broadcast %get3A_8 : vector<1x128xf32> to vector<4000x128xf32>
    %add3A_9 = arith.addf %dot_general3A_5, %add3A : vector<4000x128xf32>
    %swap3A = arith.constant 0 : index
    %swap3A_10 = arith.constant 0 : index
    %swap3A_11 = vector.load %arg4[%swap3A, %swap3A_10] : memref<4000x128xf32, #tpu.memory_space<vmem>>, vector<4000x128xf32>
    tpu.vector_store %arg4[%swap3A, %swap3A_10], %add3A_9 {strides = array<i32>} : memref<4000x128xf32, #tpu.memory_space<vmem>>, vector<4000x128xf32>,
    return
  }
  func.func @transform_0(%arg0: i32) -> (i32, i32) {
    %c0_i32 = arith.constant 0 : i32
    %c0_i32_0 = arith.constant 0 : i32
    return %arg0, %c0_i32 : i32, i32
  }
  func.func @transform_1(%arg0: i32) -> (i32, i32) {
    %c0_i32 = arith.constant 0 : i32
    %c0_i32_0 = arith.constant 0 : i32
    %c0_i32_1 = arith.constant 0 : i32
    return %c0_i32, %c0_i32_0 : i32, i32
  }
  func.func @transform_2(%arg0: i32) -> (i32, i32) {
    %c0_i32 = arith.constant 0 : i32
    %c0_i32_0 = arith.constant 0 : i32
    %c0_i32_1 = arith.constant 0 : i32
    return %c0_i32, %c0_i32_0 : i32, i32
  }
  func.func @transform_3(%arg0: i32) -> (i32, i32) {
    %c0_i32 = arith.constant 0 : i32
    %c0_i32_0 = arith.constant 0 : i32
    return %arg0, %c0_i32 : i32, i32
  }
}

</mosaic_0001>

<sc_bundles>
// kernel: kernel.5.cloned.1.call-start
scs
__scs_entry_jumppad:
0x0: {  	(pc) =	sbr.rel $0x88, $3  }
0x1: {  	(tag) =	ssettag $0x0;
	lr =	simm.s32 $0x1  }
0x2: {  	[smem:$0x3F9A] =	sst lr;
	_ =	strace $0xD0000000  }
0x3: {  	_ = 	snop  }
0x4: {  	_ = 	snop  }
0x5: {  	_ = 	snop  }
0x6: {  	_ = 	snop  }
0x7: {  	_ = 	snop  }
__scs_overlays_trampoline_lowered:
0x8: {  	[smem:$0x3FA9] =	sst s0  }
0x9: {  	[smem:$0x3FAA] =	sst s1  }
0xa: {  	[smem:$0x3FAB] =	sst s2  }
0xb: {  	[smem:$0x3FAC] =	sst s3  }
0xc: {  	[smem:$0x3FAD] =	sst s4  }
0xd: {  	[smem:$0x3FAE] =	sst s5  }
0xe: {  	[smem:$0x3FAF] =	sst s6  }
0xf: {  	[smem:$0x3FB0] =	sst s7  }
0x10: {  	[smem:$0x3FB1] =	sst s8  }
0x11: {  	[smem:$0x3FB2] =	sst s9;
	s0 =	simm.s32 @!p0 $0x0  }
0x12: {  	s1 =	sld [smem:$0x3F98];
	s0 =	simm.s32 @p0 $0x1  }
0x13: {  	[smem:$0x3FB3] =	sst s0;
	s0 =	simm.s32 @!p1 $0x0  }
0x14: {  	s2 =	sld [smem:$0x3F97];
	s0 =	simm.s32 @p1 $0x1  }
0x15: {  	[smem:$0x3FB4] =	sst s0;
	s0 =	simm.s32 @!p2 $0x0  }
0x16: {  	s3 =	sld [smem:$0x3FDB];
	s0 =	simm.s32 @p2 $0x1  }
0x17: {  	s4 =	simm.s32 $0x1BF5;
	[smem:$0x3FB6] =	sst s0  }
0x18: {  	s0 =	sld [smem:$0x3F99];
	_ =	swait.ge [sflag:s4], $0x0  }
0x19: {  	s7 =	sld [smem:$0x3F9A]  }
0x1a: {  	s8 =	sadd.s32 $0xFFFFE003, lr  }
0x1b: {  	s9 =	sadd.s32 $0xFFFFFEF7, lr;
	s5 =	simm.s32 $0xFFFFFFFF;
	p2 =	slt.u32 s8, $0xFFFFF086  }
0x1c: {  	p1 =	slt.u32 s9, $0xF7A;
	s5 =	simm.s32 @!p2 $0x0  }
0x1d: {  	s5 =	simm.s32 @p1 $0x1;
	p0 =	seq.s32 s7, s2  }
0x1e: {  	s7 =	smul.u32 @!p0 $0xF7A, s2;
	p2 =	seq.s32 @!p0 s5, $0x0  }
0x1f: {  	s9 =	smul.u32 $0xF7A, s1;
	s8 =	simm.s32 @!p0 $0x1BF5;
	p2 =	por !p2, p0  }
0x20: {  	[sflag:s8] =	ssyncset.s32 @!p0 $0xFFFFF086;
	s6 =	sadd.s32 @!p0 s3, s7;
	s7 =	simm.s32 @!p0 $0x108  }
0x21: {  	s3 =	sadd.s32 s3, s9;
	s6 =	sadd.s32 @!p0 $0x88, s6;
	s7 =	simm.s32 @p2 $0x1082  }
0x22: {  	[simem:s7], [sflag:s8] =	dma.local @!p0 [hbm:s6], $0xF7A  }
0x23: {  	s9 =	sor.u32 $0xD0000000, s2;
	s6 =	simm.s32 $0x108;
	_ =	swait.ge @!p0 [sflag:s8], $0x0  }
0x24: {  	s3 =	sadd.s32 $0x88, s3;
	s6 =	simm.s32 @!p1 $0x1082;
	[sflag:s4] =	ssyncset.s32 $0xFFFFF086  }
0x25: {  	[simem:s6], [sflag:s4] =	dma.local [hbm:s3], $0xF7A  }
0x26: {  	[smem:$0x3F9A] =	sst s1;
	(tag) =	ssettag s2;
	_ =	strace s9  }
0x27: {  	s1 =	sld [smem:$0x3FAA]  }
0x28: {  	s2 =	sld [smem:$0x3FAB]  }
0x29: {  	s4 =	sld [smem:$0x3FAD]  }
0x2a: {  	p0 =	seq.s32 s5, $0x0;
	s5 =	sld [smem:$0x3FAE]  }
0x2b: {  	s6 =	sld [smem:$0x3FAF]  }
0x2c: {  	s7 =	sld [smem:$0x3FB0]  }
0x2d: {  	s3 =	simm.s32 $0x108;
	s8 =	sld [smem:$0x3FB1]  }
0x2e: {  	s3 =	simm.s32 @!p0 $0x1082;
	s9 =	sld [smem:$0x3FB2]  }
0x2f: {  	lr =	sadd.s32 s0, s3;
	s0 =	sld [smem:$0x3FA9]  }
0x30: {  	s3 =	sld [smem:$0x3FAC]  }
0x31: {  	[smem:$0x3FB5] =	sst s10  }
0x32: {  	s10 =	sld [smem:$0x3FB3];
	_ =	sdelay $0x3  }
0x33: {  	p0 =	seq.s32 s10, $0x1;
	s10 =	sld [smem:$0x3FB5];
	_ =	sdelay $0x3  }
0x34: {  	[smem:$0x3FB5] =	sst s10  }
0x35: {  	s10 =	sld [smem:$0x3FB4];
	_ =	sdelay $0x3  }
0x36: {  	p1 =	seq.s32 s10, $0x1;
	s10 =	sld [smem:$0x3FB5];
	_ =	sdelay $0x3  }
0x37: {  	[smem:$0x3FB5] =	sst s10  }
0x38: {  	s10 =	sld [smem:$0x3FB6]  }
0x39: {  	_ = 	snop;
	(pc) =	sbr.ind lr, $3  }
0x3a: {  	_ = 	snop  }
0x3b: {  	_ = 	snop  }
0x3c: {  	p2 =	seq.s32 s10, $0x1;
	s10 =	sld [smem:$0x3FB5]  }
0x3d: {  	_ =	shalt  }
0x3e: {  	_ =	shalt  }
0x3f: {  	_ =	shalt  }
0x40: {  	_ =	shalt  }
0x41: {  	_ =	shalt  }
0x42: {  	_ =	shalt  }
0x43: {  	_ =	shalt  }
0x44: {  	_ =	shalt  }
0x45: {  	_ =	shalt  }
0x46: {  	_ =	shalt  }
0x47: {  	_ =	shalt  }
0x48: {  	_ =	shalt  }
0x49: {  	_ =	shalt  }
0x4a: {  	_ =	shalt  }
0x4b: {  	_ =	shalt  }
0x4c: {  	_ =	shalt  }
0x4d: {  	_ =	shalt  }
0x4e: {  	_ =	shalt  }
0x4f: {  	_ =	shalt  }
0x50: {  	_ =	shalt  }
0x51: {  	_ =	shalt  }
0x52: {  	_ =	shalt  }
0x53: {  	_ =	shalt  }
0x54: {  	_ =	shalt  }
0x55: {  	_ =	shalt  }
0x56: {  	_ =	shalt  }
0x57: {  	_ =	shalt  }
0x58: {  	_ =	shalt  }
0x59: {  	_ =	shalt  }
0x5a: {  	_ =	shalt  }
0x5b: {  	_ =	shalt  }
0x5c: {  	_ =	shalt  }
0x5d: {  	_ =	shalt  }
0x5e: {  	_ =	shalt  }
0x5f: {  	_ =	shalt  }
0x60: {  	_ =	shalt  }
0x61: {  	_ =	shalt  }
0x62: {  	_ =	shalt  }
0x63: {  	_ =	shalt  }
0x64: {  	_ =	shalt  }
0x65: {  	_ =	shalt  }
0x66: {  	_ =	shalt  }
0x67: {  	_ =	shalt  }
0x68: {  	_ =	shalt  }
0x69: {  	_ =	shalt  }
0x6a: {  	_ =	shalt  }
0x6b: {  	_ =	shalt  }
0x6c: {  	_ =	shalt  }
0x6d: {  	_ =	shalt  }
0x6e: {  	_ =	shalt  }
0x6f: {  	_ =	shalt  }
0x70: {  	_ =	shalt  }
0x71: {  	_ =	shalt  }
0x72: {  	_ =	shalt  }
0x73: {  	_ =	shalt  }
0x74: {  	_ =	shalt  }
0x75: {  	_ =	shalt  }
0x76: {  	_ =	shalt  }
0x77: {  	_ =	shalt  }
0x78: {  	_ =	shalt  }
0x79: {  	_ =	shalt  }
0x7a: {  	_ =	shalt  }
0x7b: {  	_ =	shalt  }
0x7c: {  	_ =	shalt  }
0x7d: {  	_ =	shalt  }
0x7e: {  	_ =	shalt  }
0x7f: {  	_ =	shalt  }
0x80: {  	_ =	shalt  }
0x81: {  	_ =	shalt  }
0x82: {  	_ =	shalt  }
0x83: {  	_ =	shalt  }
0x84: {  	_ =	shalt  }
0x85: {  	_ =	shalt  }
0x86: {  	_ =	shalt  }
0x87: {  	_ =	shalt  }
.Lfunc_end0:
.L_simem_size_0:
called_computation_lowered:
.L_overlay_start_0:
0x88: {  	s2 =	sld [smem:$0x3FD9]  }
0x89: {  	s3 =	sld [smem:$0x3FFE];
	_ =	sdelay $0x1  }
0x8a: {  	s1 =	srdreg.scid  }
0x8b: {  	s0 =	sand.u32 $0x1, s1  }
0x8c: {  	s17 =	sshll.u32 s0, $0xA;
	s2 =	sadd.s32 s3, s2  }
0x8d: {  	s2 =	sadd.s32 s2, s17  }
0x8e: {  	[smem:$0x3FC1] =	sst s2  }
0x8f: {  	_ = 	snop  }
0x90: {  	s2 =	sld [smem:$0x3FD0];
	(tm) =	ssettm $0x1  }
0x91: {  	s18 =	sld [smem:$0x3FFB];
	_ =	sdelay $0x3  }
0x92: {  	_ =	strace s18  }
0x93: {  	s3 =	sld [smem:$0x3FFC];
	_ =	sdelay $0x3  }
0x94: {  	_ =	strace s3  }
0x95: {  	s3 =	sld [smem:$0x3FFD];
	_ =	sdelay $0x3  }
0x96: {  	_ =	strace s3  }
0x97: {  	_ =	strace $0x8FFFFFFF  }
0x98: {  	s19 =	sld [smem:$0x3FDB];
	_ =	sdelay $0x1  }
0x99: {  	s4 =	simm.s32 $_scs_section_size  }
0x9a: {  	s5 =	simm.s32 $_size__tile_overlayer_lowered;
	s6 =	simm.s32 $_tile_overlayer_lowered  }
0x9b: {  	s22 =	simm.s32 $0x1BFF;
	s21 =	sshll.u32 s6, $0x1;
	s3 =	sadd.s32 s4, s19  }
0x9c: {  	s7 =	simm.s32 $0x0;
	s20 =	sshll.u32 s5, $0x1;
	s5 =	sadd.s32 s21, s3  }
0x9d: {  	[timem:s7], [sflag:s22] =	dma.local [hbm:s5], s20  }
0x9e: {  	_ =	swait.ge [sflag:s22], s20  }
0x9f: {  	s4 =	ssub.s32 $0x0, s20;
	[sflag:s22] =	ssyncset.done $0x0  }
0xa0: {  	[sflag:s22] =	ssyncadd.s32 s4;
	_ =	sdelay $0x1  }
0xa1: {  	s23 =	simm.s32 $0x1B8B  }
0xa2: {  	_ =	swait.ge [sflag:s23], $0x1  }
0xa3: {  	[sflag:s23] =	ssyncset.done $0x0  }
0xa4: {  	s25 =	simm.s32 $0x1B8E;
	s24 =	sld [smem:$0x3FFE];
	[sflag:s23] =	ssyncadd.s32 $0xFFFFFFFF  }
0xa5: {  	s26 =	simm.s32 $execute0_lowered;
	[smem:$0x3FD2] =	sst s25  }
0xa6: {  	s5 =	sshll.u32 s26, $0x1;
	_ =	strace $0x80000046;
	[dreg:$0x1] =	wrdreg $0xFFFFFFFF  }
0xa7: {  	s28 =	simm.s32 $_size_execute0_lowered;
	s3 =	sadd.s32 s3, s5;
	[dreg:$0x0] =	wrdreg $0x0  }
0xa8: {  	s5 =	sshll.u32 s28, $0x1;
	[dreg:$0x2] =	wrdreg s3  }
0xa9: {  	[dreg:$0x3] =	wrdreg s5  }
0xaa: {  	[dreg:$0x4] =	wrdreg $0xC0  }
0xab: {  	_ =	task [dreg:s7], $0x5FFFF  }
0xac: {  	[dreg:$0x1] =	wrdreg $0xFFFFFFFF  }
0xad: {  	[dreg:$0x0] =	wrdreg $0x60  }
0xae: {  	[dreg:$0x2] =	wrdreg s24  }
0xaf: {  	[dreg:$0x3] =	wrdreg s2  }
0xb0: {  	[dreg:$0x4] =	wrdreg $0x9  }
0xb1: {  	_ =	task.clear_ibuf [dreg:s7], $0x5FFFF;
	_ =	strace $0x90000046  }
0xb2: {  	s29 =	simm.s32 $0x9;
	_ =	strace $0x80000048  }
0xb3: {  	_ =	swait.ge [sflag:s29], $0x1  }
0xb4: {  	[sflag:s29] =	ssyncadd.s32 $0xFFFFFFFF  }
0xb5: {  	_ =	strace $0x90000048  }
0xb6: {  	_ =	sfence  }
0xb7: {  	s30 =	sld [smem:$0x0];
	_ =	sdelay $0x2  }
0xb8: {  	s31 =	sshll.u32 s1, $0xD;
	s1 =	sshrl.u32 s1, $0x2  }
0xb9: {  	s3 =	sand.u32 $0x4000, s31;
	s1 =	sadd.s32 s1, s30  }
0xba: {  	s0 =	sor.u32 s3, s0;
	s1 =	sshll.u32 s1, $0x11  }
0xbb: {  	s0 =	sor.u32 s1, s0  }
0xbc: {  	s0 =	sadd.s32 $0x8F2B, s0  }
0xbd: {  	[sflag:s0] =	ssyncadd.remote.s32 $0x1  }
0xbe: {  	_ =	sfence.sel $0xFFFF  }
0xbf: {  	[dreg:$0x0] =	wrdreg $0xFFFFFFFF;
	(pc) =	sbr.abs _section_cstart, $3  }
0xc0: {  	[dreg:$0x1] =	wrdreg $0xFFFFFFFF  }
0xc1: {  	_ =	task.clear_ibuf [dreg:s7], $0x2FFFF;
	_ =	strace $0x9FFFFFFF  }
0xc2: {  	(tm) =	ssettm $0x7FFFFFFF  }
0xc3: {  	_ =	shalt  }
tec
execute0_lowered:
.L_overlay_start_1:
0x0: {  	(tag) =	ssettag $0x1  }
0x1: {  	s0 =	srdreg.scid  }
0x2: {  	s2 =	stileid.u32;
	s1 =	rddreg [dreg:$0x0]  }
0x3: {  	s23 =	rddreg [dreg:$0x1];
	s0 =	sand.u32 $0x1, s0;
	s3 =	sshll.u32 s2, $0x1  }
0x4: {  	s28 =	simm.s32 $0x2;
	s29 =	simm.s32 $0x4;
	s7 =	sor.u32 s0, s3  }
0x5: {  	s30 =	simm.s32 $0x6;
	s5 =	sadd.s32 $0xB0800, s1;
	s4 =	smul.u32 $0x2710, s7  }
0x6: {  	s3 =	simm.s32 $0x0;
	s0 =	ssub.s32 $0x2, s0;
	s9 =	smul.u32 $0x27100, s7  }
0x7: {  	[smem:$0x7FF] =	sst s3;
	s24 =	sshrl.u32 s0, $0x1;
	s7 =	smul.u32 $0x4E20, s7  }
0x8: {  	s2 =	simm.s32 $0x0;
	_ =	strace $0x80000047;
	s0 =	ssub.s32 s0, s24  }
0x9: {  	s6 =	sshrl.u32 s4, $0x3;
	s26 =	sshrl.u32 s9, $0x3;
	s7 =	sadd.s32 s23, s7  }
0xa: {  	s31 =	sadd.s32 $0x28, s4;
	s0 =	smax.u32 s0, $0x1;
	[dreg:$0x5] =	wrdreg s7  }
.Ltmp0:
0xb: {  	s8 =	sadd.s32 s6, s1;
	[dreg:$0x7] =	wrdreg s31;
	(pc) =	sbr.rel .LBB2_1-.Ltmp0, $4  }
0xc: {  	s6 =	sadd.s32 $0xD7A00, s1;
	[dreg:$0x8] =	wrdreg s0;
	s25 =	sadd.s32 $0xA600, s8  }
0xd: {  	s1 =	sadd.s32 s23, s26;
	s8 =	sadd.s32 $0x800, s8;
	[dreg:$0x3] =	wrdreg s25  }
0xe: {  	s24 =	simm.s32 $0x3;
	s1 =	sadd.s32 $0x50, s1;
	[dreg:$0x4] =	wrdreg s8  }
0xf: {  	s23 =	simm.s32 $0x1;
	[dreg:$0x6] =	wrdreg s1;
	s25 =	simm.s32 $0x5  }
.LBB2_8:
0x10: {  	s0 =	simm.s32 $0x7  }
0x11: {  	_ =	swait.ge [sflag:s0], $0x2800  }
0x12: {  	[sflag:s0] =	ssyncset.done $0x0  }
0x13: {  	s1 =	simm.s32 $0x8;
	[sflag:s0] =	ssyncadd.s32 $0xFFFFD800  }
0x14: {  	_ =	swait.ge [sflag:s1], $0x2800  }
0x15: {  	s2 =	rddreg [dreg:$0x9]  }
0x16: {  	s31 =	rddreg [dreg:$0x8];
	s2 =	sadd.s32 $0x1, s2  }
0x17: {  	p0 =	sne.s32 s2, s31  }
.Ltmp1:
0x18: {  	_ = 	snop;
	(pc) =	sbr.rel @!p0 .LBB2_9-.Ltmp1, $3  }
0x19: {  	_ =	sdelay $0x1  }
0x1a: {  	[sflag:s1] =	ssyncset.done $0x0  }
0x1b: {  	[sflag:s1] =	ssyncadd.s32 $0xFFFFD800  }
.LBB2_1:
0x1c: {  	[dreg:$0x9] =	wrdreg s2  }
0x1d: {  	s0 =	rddreg [dreg:$0x3];
	s1 =	simm.s32 $0x9  }
0x1e: {  	[tilespmem:s3], [sflag:$0x9] =	stream.linear.gather [hbm4b:s0+s3], $0x2710, $0x38;
	[tilespmem:$0xF400] =	vst v63  }
0x1f: {  	_ =	swait.ge [sflag:s1], $0x2710  }
0x20: {  	[sflag:s1] =	ssyncset.done $0x0  }
0x21: {  	s14 =	simm.s32 $0x2780;
	s13 =	rddreg [dreg:$0x4];
	[sflag:s1] =	ssyncadd.s32 $0xFFFFD8F0  }
0x22: {  	[tilespmem:s14], [sflag:$0x9] =	stream.linear.gather [hbm4b:s13+s3], $0x2710, $0x38;
	[tilespmem:$0xF400] =	vst v63  }
0x23: {  	_ =	swait.ge [sflag:s1], $0x2710  }
0x24: {  	[sflag:s1] =	ssyncset.done $0x0  }
0x25: {  	s15 =	simm.s32 $0x28;
	s16 =	simm.s32 $0x4F00;
	[sflag:s1] =	ssyncadd.s32 $0xFFFFD8F0  }
0x26: {  	[tilespmem:s16], [sflag:$0x1] =	stream.indirect.gather [hbm4b:s5+s15], $0x80, s3, s15, $0xb8;
	[tilespmem:$0xF400] =	vst v63  }
0x27: {  	s17 =	simm.s32 $0x7700  }
0x28: {  	[tilespmem:s17], [sflag:$0x3] =	stream.indirect.gather [hbm4b:s5+s15], $0x80, s14, s15, $0xb8;
	[tilespmem:$0xF400] =	vst v63  }
0x29: {  	s19 =	simm.s32 $0x9F00;
	s18 =	rddreg [dreg:$0x5]  }
0x2a: {  	[tilespmem:s19], [sflag:$0x5] =	stream.linear.gather [hbm4b:s18+s3], $0x280, $0x38;
	[tilespmem:$0xF400] =	vst v63  }
0x2b: {  	s20 =	simm.s32 $0x6300  }
0x2c: {  	[tilespmem:s20], [sflag:$0x2] =	stream.indirect.gather [hbm4b:s5+s15], $0x80, s15, s15, $0xb8;
	[tilespmem:$0xF400] =	vst v63  }
0x2d: {  	s21 =	simm.s32 $0x27A8;
	s22 =	simm.s32 $0x8B00  }
0x2e: {  	[tilespmem:s22], [sflag:$0x4] =	stream.indirect.gather [hbm4b:s5+s15], $0x80, s21, s15, $0xb8;
	[tilespmem:$0xF400] =	vst v63  }
0x2f: {  	s31 =	simm.s32 $0xA180;
	s26 =	rddreg [dreg:$0x6];
	s17 =	simm.s32 $0x0  }
0x30: {  	[tilespmem:s31], [sflag:$0x6] =	stream.linear.gather [hbm4b:s26+s3], $0x280, $0x38;
	[tilespmem:$0xF400] =	vst v63  }
.LBB2_2:
0x31: {  	_ =	swait.ge [sflag:s23], $0x1400  }
0x32: {  	[sflag:s23] =	ssyncset.done $0x0  }
0x33: {  	[sflag:s23] =	ssyncadd.s32 $0xFFFFEC00  }
0x34: {  	_ =	swait.ge [sflag:s24], $0x1400  }
0x35: {  	[sflag:s24] =	ssyncset.done $0x0  }
0x36: {  	[sflag:s24] =	ssyncadd.s32 $0xFFFFEC00  }
0x37: {  	_ =	swait.ge [sflag:s25], $0x280  }
0x38: {  	p0 =	seq.s32 s17, $0x0;
	[sflag:s25] =	ssyncset.done $0x0  }
0x39: {  	s0 =	simm.s32 @!p0 $0x7;
	[sflag:s25] =	ssyncadd.s32 $0xFFFFFD80  }
0x3a: {  	_ =	swait.ge @!p0 [sflag:s0], $0x2800  }
0x3b: {  	[sflag:s0] =	ssyncset.done @!p0 $0x0  }
0x3c: {  	s1 =	simm.s32 $0x9F10;
	[sflag:s0] =	ssyncadd.s32 @!p0 $0xFFFFD800  }
0x3d: {  	v0 =	vld [tilespmem:s1+$0x0]  }
0x3e: {  	s7 =	simm.s32 $0x0  }
0x3f: {  	s8 =	simm.s32 $0x80;
	s9 =	sand.u32 $0x3800, s7  }
0x40: {  	s10 =	sand.u32 $0x380, s8;
	s9 =	sadd.s32 $0xA400, s9  }
0x41: {  	s21 =	sor.u32 s10, s9  }
0x42: {  	s11 =	simm.s32 $0x4F80;
	v1 =	vld [tilespmem:s1+$0xFFFFFFF0];
	[tilespmem:s21+$0x0] =	vst v0  }
0x43: {  	s22 =	simm.s32 $0x7780;
	v0 =	vld [tilespmem:s11+$0x0]  }
0x44: {  	v2 =	vld [tilespmem:s22+$0x0]  }
0x45: {  	s12 =	sand.u32 $0x300, s7  }
0x46: {  	s20 =	sor.u32 s12, s9  }
0x47: {  	[tilespmem:s20+$0x0] =	vst v1  }
0x48: {  	v1 =	vld [tilespmem:s11+$0xFFFFFF80]  }
0x49: {  	v3 =	vld [tilespmem:s22+$0xFFFFFF80];
	v0 =	vadd.f32 v2, v0;
	_ =	sdelay $0x1  }
0x4a: {  	[tilespmem:s21+$0x10] =	vst v0  }
0x4b: {  	v0 =	vld [tilespmem:s11+$0x10]  }
0x4c: {  	v2 =	vld [tilespmem:s22+$0x10]  }
0x4d: {  	v1 =	vadd.f32 v3, v1;
	_ =	sdelay $0x1  }
0x4e: {  	[tilespmem:s20+$0x10] =	vst v1  }
0x4f: {  	v1 =	vld [tilespmem:s11+$0xFFFFFF90]  }
0x50: {  	v3 =	vld [tilespmem:s22+$0xFFFFFF90];
	v0 =	vadd.f32 v2, v0;
	_ =	sdelay $0x1  }
0x51: {  	[tilespmem:s21+$0x20] =	vst v0  }
0x52: {  	v0 =	vld [tilespmem:s11+$0x20]  }
0x53: {  	v2 =	vld [tilespmem:s22+$0x20]  }
0x54: {  	v1 =	vadd.f32 v3, v1;
	_ =	sdelay $0x1  }
0x55: {  	[tilespmem:s20+$0x20] =	vst v1  }
0x56: {  	v1 =	vld [tilespmem:s11+$0xFFFFFFA0]  }
0x57: {  	v3 =	vld [tilespmem:s22+$0xFFFFFFA0];
	v0 =	vadd.f32 v2, v0  }
0x58: {  	s13 =	simm.s32 $0x9F30  }
0x59: {  	v2 =	vld [tilespmem:s13+$0x0];
	[tilespmem:s21+$0x30] =	vst v0  }
0x5a: {  	v0 =	vld [tilespmem:s11+$0x30]  }
0x5b: {  	v4 =	vld [tilespmem:s22+$0x30]  }
0x5c: {  	s14 =	simm.s32 $0x200;
	v1 =	vadd.f32 v3, v1  }
0x5d: {  	s15 =	simm.s32 $0x180;
	s7 =	sand.u32 $0x3800, s14  }
0x5e: {  	s18 =	sand.u32 $0x380, s15;
	s16 =	sadd.s32 $0xA400, s7;
	[tilespmem:s20+$0x30] =	vst v1;
	v1 =	vld [tilespmem:s13+$0xFFFFFFF0]  }
0x5f: {  	s14 =	sor.u32 s18, s16;
	v3 =	vld [tilespmem:s11+$0xFFFFFFB0]  }
0x60: {  	s9 =	simm.s32 $0x7880;
	[tilespmem:s14+$0x0] =	vst v2;
	v2 =	vld [tilespmem:s22+$0xFFFFFFB0];
	v0 =	vadd.f32 v4, v0  }
0x61: {  	s8 =	simm.s32 $0x5080;
	v5 =	vld [tilespmem:s9+$0x0]  }
0x62: {  	s19 =	simm.s32 $0x100;
	v4 =	vld [tilespmem:s8+$0x0];
	[tilespmem:s21+$0x40] =	vst v0  }
0x63: {  	s7 =	sand.u32 $0x300, s19;
	v0 =	vld [tilespmem:s11+$0x40]  }
0x64: {  	s7 =	sor.u32 s7, s16;
	v6 =	vld [tilespmem:s22+$0x40]  }
0x65: {  	[tilespmem:s7+$0x0] =	vst v1;
	v1 =	vadd.f32 v2, v3  }
0x66: {  	v2 =	vld [tilespmem:s8+$0xFFFFFF80]  }
0x67: {  	v3 =	vld [tilespmem:s9+$0xFFFFFF80];
	[tilespmem:s20+$0x40] =	vst v1;
	v4 =	vadd.f32 v5, v4  }
0x68: {  	v1 =	vld [tilespmem:s11+$0xFFFFFFC0]  }
0x69: {  	[tilespmem:s14+$0x10] =	vst v4;
	v4 =	vld [tilespmem:s22+$0xFFFFFFC0];
	v0 =	vadd.f32 v6, v0  }
0x6a: {  	v5 =	vld [tilespmem:s8+$0x10]  }
0x6b: {  	v6 =	vld [tilespmem:s9+$0x10];
	[tilespmem:s21+$0x50] =	vst v0  }
0x6c: {  	v0 =	vadd.f32 v3, v2;
	v2 =	vld [tilespmem:s11+$0x50]  }
0x6d: {  	v3 =	vld [tilespmem:s22+$0x50]  }
0x6e: {  	[tilespmem:s7+$0x10] =	vst v0;
	v0 =	vadd.f32 v4, v1  }
0x6f: {  	v1 =	vld [tilespmem:s8+$0xFFFFFF90]  }
0x70: {  	v4 =	vld [tilespmem:s9+$0xFFFFFF90];
	v5 =	vadd.f32 v6, v5;
	[tilespmem:s20+$0x50] =	vst v0  }
0x71: {  	v0 =	vld [tilespmem:s11+$0xFFFFFFD0]  }
0x72: {  	[tilespmem:s14+$0x20] =	vst v5;
	v5 =	vld [tilespmem:s22+$0xFFFFFFD0];
	v2 =	vadd.f32 v3, v2  }
0x73: {  	v3 =	vld [tilespmem:s8+$0x20]  }
0x74: {  	v6 =	vld [tilespmem:s9+$0x20];
	[tilespmem:s21+$0x60] =	vst v2  }
0x75: {  	v1 =	vadd.f32 v4, v1;
	v2 =	vld [tilespmem:s11+$0x60]  }
0x76: {  	v4 =	vld [tilespmem:s22+$0x60]  }
0x77: {  	[tilespmem:s7+$0x20] =	vst v1  }
0x78: {  	v0 =	vadd.f32 v5, v0;
	v1 =	vld [tilespmem:s8+$0xFFFFFFA0]  }
0x79: {  	s10 =	simm.s32 $0x9F50;
	v5 =	vld [tilespmem:s9+$0xFFFFFFA0];
	v3 =	vadd.f32 v6, v3  }
0x7a: {  	v6 =	vld [tilespmem:s10+$0x0];
	[tilespmem:s20+$0x60] =	vst v0  }
0x7b: {  	v0 =	vld [tilespmem:s11+$0xFFFFFFE0];
	[tilespmem:s14+$0x30] =	vst v3;
	v2 =	vadd.f32 v4, v2  }
0x7c: {  	v3 =	vld [tilespmem:s8+$0x30]  }
0x7d: {  	v4 =	vld [tilespmem:s9+$0x30];
	[tilespmem:s21+$0x70] =	vst v2  }
0x7e: {  	s1 =	simm.s32 $0x400;
	v1 =	vadd.f32 v5, v1;
	v2 =	vld [tilespmem:s11+$0x70]  }
0x7f: {  	s12 =	sand.u32 $0x3800, s1;
	s13 =	simm.s32 $0x280;
	v7 =	vld [tilespmem:s22+$0x70]  }
0x80: {  	s12 =	sadd.s32 $0xA400, s12;
	s26 =	sand.u32 $0x380, s13;
	[tilespmem:s7+$0x30] =	vst v1;
	v1 =	vld [tilespmem:s10+$0xFFFFFFF0]  }
0x81: {  	s10 =	sor.u32 s26, s12;
	v5 =	vld [tilespmem:s8+$0xFFFFFFB0]  }
0x82: {  	s13 =	simm.s32 $0x5180;
	[tilespmem:s10+$0x0] =	vst v6;
	v6 =	vld [tilespmem:s9+$0xFFFFFFB0];
	v3 =	vadd.f32 v4, v3  }
0x83: {  	s19 =	simm.s32 $0x200;
	s16 =	simm.s32 $0x7980;
	v4 =	vld [tilespmem:s13+$0x0]  }
0x84: {  	s18 =	sand.u32 $0x300, s19;
	v8 =	vld [tilespmem:s16+$0x0];
	[tilespmem:s14+$0x40] =	vst v3  }
0x85: {  	s12 =	sor.u32 s18, s12;
	v3 =	vld [tilespmem:s8+$0x40]  }
0x86: {  	[tilespmem:s12+$0x0] =	vst v1;
	v1 =	vld [tilespmem:s9+$0x40]  }
0x87: {  	v9 =	vld [tilespmem:s13+$0xFFFFFF80];
	v5 =	vadd.f32 v6, v5  }
0x88: {  	v6 =	vld [tilespmem:s16+$0xFFFFFF80]  }
0x89: {  	v4 =	vadd.f32 v8, v4;
	[tilespmem:s7+$0x40] =	vst v5;
	v5 =	vld [tilespmem:s22+$0xFFFFFFE0]  }
0x8a: {  	v8 =	vld [tilespmem:s8+$0xFFFFFFC0]  }
0x8b: {  	[tilespmem:s10+$0x10] =	vst v4;
	v4 =	vld [tilespmem:s9+$0xFFFFFFC0];
	v1 =	vadd.f32 v1, v3  }
0x8c: {  	v3 =	vld [tilespmem:s13+$0x10]  }
0x8d: {  	v62 =	vld [tilespmem:s16+$0x10];
	v6 =	vadd.f32 v6, v9;
	[tilespmem:s14+$0x50] =	vst v1  }
0x8e: {  	v1 =	vld [tilespmem:s8+$0x50]  }
0x8f: {  	v0 =	vadd.f32 v5, v0;
	[tilespmem:s12+$0x10] =	vst v6;
	v5 =	vld [tilespmem:s9+$0x50]  }
0x90: {  	v4 =	vadd.f32 v4, v8;
	v6 =	vld [tilespmem:s13+$0xFFFFFF90]  }
0x91: {  	v8 =	vld [tilespmem:s16+$0xFFFFFF90];
	[tilespmem:s20+$0x70] =	vst v0  }
0x92: {  	v3 =	vadd.f32 v62, v3;
	[tilespmem:s7+$0x50] =	vst v4;
	v0 =	vld [tilespmem:s11+$0xFFFFFFF0]  }
0x93: {  	v63 =	vld [tilespmem:s8+$0xFFFFFFD0]  }
0x94: {  	[tilespmem:s10+$0x20] =	vst v3;
	v10 =	vld [tilespmem:s9+$0xFFFFFFD0];
	v1 =	vadd.f32 v5, v1  }
0x95: {  	v11 =	vld [tilespmem:s13+$0x20]  }
0x96: {  	v4 =	vadd.f32 v8, v6;
	v8 =	vld [tilespmem:s16+$0x20];
	[tilespmem:s14+$0x60] =	vst v1  }
0x97: {  	v3 =	vld [tilespmem:s8+$0x60]  }
0x98: {  	v7 =	vadd.f32 v7, v2;
	[tilespmem:s12+$0x20] =	vst v4;
	v4 =	vld [tilespmem:s9+$0x60]  }
0x99: {  	v1 =	vadd.f32 v10, v63;
	v5 =	vld [tilespmem:s13+$0xFFFFFFA0]  }
0x9a: {  	s18 =	smul.u32 $0x50, s17;
	[tilespmem:s21+$0x400] =	vst v7;
	v6 =	vld [tilespmem:s16+$0xFFFFFFA0]  }
0x9b: {  	s31 =	simm.s32 $0x9F70;
	s26 =	simm.s32 $0x4;
	v2 =	vld [tilespmem:s22+$0xFFFFFFF0];
	[tilespmem:s7+$0x60] =	vst v1;
	v7 =	vadd.f32 v8, v11  }
0x9c: {  	s0 =	sadd.s32 s4, s18;
	s21 =	simm.s32 $0x5180;
	s22 =	simm.s32 $0x7980;
	v1 =	vld [tilespmem:s8+$0xFFFFFFE0]  }
.LBB2_3:
0x9d: {  	v8 =	vld [tilespmem:s31+$0x0];
	[tilespmem:s10+$0x30] =	vst v7;
	v3 =	vadd.f32 v4, v3  }
0x9e: {  	v4 =	vld [tilespmem:s13+$0x30]  }
0x9f: {  	v5 =	vadd.f32 v6, v5;
	v6 =	vld [tilespmem:s16+$0x30];
	[tilespmem:s14+$0x70] =	vst v3  }
0xa0: {  	s1 =	sadd.s32 $0x200, s1;
	s19 =	sadd.s32 $0x100, s19;
	v3 =	vld [tilespmem:s8+$0x70];
	v0 =	vadd.f32 v2, v0  }
0xa1: {  	s2 =	sand.u32 $0x3800, s1;
	s11 =	sand.u32 $0x300, s19;
	s15 =	sadd.s32 $0x80, s19;
	[tilespmem:s12+$0x30] =	vst v5;
	v2 =	vld [tilespmem:s9+$0x70]  }
0xa2: {  	s2 =	sadd.s32 $0xA400, s2;
	s15 =	sand.u32 $0x380, s15;
	v5 =	vld [tilespmem:s31+$0xFFFFFFF0];
	[tilespmem:s20+$0x400] =	vst v0;
	s20 =	smov.u32 s7  }
0xa3: {  	s15 =	sor.u32 s15, s2;
	s7 =	smov.u32 s12;
	s12 =	sor.u32 s11, s2;
	v0 =	vld [tilespmem:s13+$0xFFFFFFB0]  }
0xa4: {  	s13 =	sadd.s32 $0x100, s13;
	[tilespmem:s15+$0x0] =	vst v8;
	v7 =	vld [tilespmem:s16+$0xFFFFFFB0];
	v4 =	vadd.f32 v6, v4  }
0xa5: {  	s16 =	sadd.s32 $0x100, s16;
	v6 =	vld [tilespmem:s13+$0x0]  }
0xa6: {  	v8 =	vld [tilespmem:s16+$0x0];
	[tilespmem:s10+$0x40] =	vst v4;
	v2 =	vadd.f32 v2, v3  }
0xa7: {  	s26 =	sadd.s32 $0x2, s26;
	[tilespmem:s12+$0x0] =	vst v5;
	v3 =	vld [tilespmem:s21+$0x40]  }
0xa8: {  	p1 =	slt.u32 s26, $0x26;
	v4 =	vld [tilespmem:s22+$0x40];
	[tilespmem:s14+$0x400] =	vst v2;
	s14 =	smov.u32 s10;
	s10 =	smov.u32 s15  }
0xa9: {  	v2 =	vld [tilespmem:s13+$0xFFFFFF80];
	v0 =	vadd.f32 v7, v0  }
0xaa: {  	v5 =	vld [tilespmem:s16+$0xFFFFFF80]  }
0xab: {  	v6 =	vadd.f32 v8, v6;
	[tilespmem:s7+$0x40] =	vst v0;
	v0 =	vld [tilespmem:s9+$0xFFFFFFE0]  }
0xac: {  	v7 =	vld [tilespmem:s21+$0xFFFFFFC0]  }
0xad: {  	[tilespmem:s10+$0x10] =	vst v6;
	v6 =	vld [tilespmem:s22+$0xFFFFFFC0];
	v3 =	vadd.f32 v4, v3  }
0xae: {  	v4 =	vld [tilespmem:s13+$0x10]  }
0xaf: {  	v2 =	vadd.f32 v5, v2;
	v5 =	vld [tilespmem:s16+$0x10];
	[tilespmem:s14+$0x50] =	vst v3  }
0xb0: {  	v3 =	vld [tilespmem:s21+$0x50];
	v0 =	vadd.f32 v0, v1  }
0xb1: {  	[tilespmem:s12+$0x10] =	vst v2;
	v1 =	vld [tilespmem:s22+$0x50]  }
0xb2: {  	v2 =	vld [tilespmem:s13+$0xFFFFFF90];
	v6 =	vadd.f32 v6, v7;
	[tilespmem:s20+$0x70] =	vst v0  }
0xb3: {  	v7 =	vld [tilespmem:s16+$0xFFFFFF90]  }
0xb4: {  	v4 =	vadd.f32 v5, v4;
	[tilespmem:s7+$0x50] =	vst v6;
	v0 =	vld [tilespmem:s8+$0xFFFFFFF0];
	s8 =	smov.u32 s21;
	s21 =	smov.u32 s13  }
0xb5: {  	v6 =	vld [tilespmem:s8+$0xFFFFFFD0]  }
0xb6: {  	[tilespmem:s10+$0x20] =	vst v4;
	v8 =	vld [tilespmem:s22+$0xFFFFFFD0];
	v1 =	vadd.f32 v1, v3  }
0xb7: {  	v9 =	vld [tilespmem:s13+$0x20]  }
0xb8: {  	v2 =	vadd.f32 v7, v2;
	v7 =	vld [tilespmem:s16+$0x20];
	[tilespmem:s14+$0x60] =	vst v1  }
0xb9: {  	v3 =	vld [tilespmem:s8+$0x60]  }
.Ltmp2:
0xba: {  	[tilespmem:s12+$0x20] =	vst v2;
	v4 =	vld [tilespmem:s22+$0x60];
	(pc) =	sbr.rel @p1 .LBB2_3-.Ltmp2, $4  }
0xbb: {  	v5 =	vld [tilespmem:s13+$0xFFFFFFA0];
	v1 =	vadd.f32 v8, v6  }
0xbc: {  	v6 =	vld [tilespmem:s16+$0xFFFFFFA0]  }
0xbd: {  	v7 =	vadd.f32 v7, v9;
	[tilespmem:s7+$0x60] =	vst v1;
	v2 =	vld [tilespmem:s9+$0xFFFFFFF0];
	s9 =	smov.u32 s22;
	s22 =	smov.u32 s16  }
0xbe: {  	s31 =	sadd.s32 $0x20, s31;
	v1 =	vld [tilespmem:s8+$0xFFFFFFE0]  }
0xbf: {  	_ =	sdelay $0x1  }
0xc0: {  	[tilespmem:s10+$0x30] =	vst v7;
	v5 =	vadd.f32 v6, v5  }
0xc1: {  	v7 =	vld [tilespmem:s16+$0x30]  }
0xc2: {  	v6 =	vld [tilespmem:s13+$0x30];
	[tilespmem:s12+$0x30] =	vst v5  }
0xc3: {  	v5 =	vld [tilespmem:s13+$0xFFFFFFB0]  }
0xc4: {  	v8 =	vld [tilespmem:s16+$0xFFFFFFB0];
	_ =	sdelay $0x2  }
0xc5: {  	v6 =	vadd.f32 v7, v6;
	_ =	sdelay $0x1  }
0xc6: {  	[tilespmem:s10+$0x40] =	vst v6;
	v5 =	vadd.f32 v8, v5  }
0xc7: {  	v6 =	vld [tilespmem:s21+$0x40]  }
0xc8: {  	v7 =	vld [tilespmem:s22+$0x40];
	[tilespmem:s12+$0x40] =	vst v5  }
0xc9: {  	v5 =	vld [tilespmem:s21+$0xFFFFFFC0]  }
0xca: {  	v8 =	vld [tilespmem:s22+$0xFFFFFFC0];
	_ =	sdelay $0x2  }
0xcb: {  	v6 =	vadd.f32 v7, v6;
	_ =	sdelay $0x1  }
0xcc: {  	[tilespmem:s10+$0x50] =	vst v6;
	v5 =	vadd.f32 v8, v5  }
0xcd: {  	v6 =	vld [tilespmem:s21+$0x50]  }
0xce: {  	v7 =	vld [tilespmem:s22+$0x50];
	[tilespmem:s12+$0x50] =	vst v5  }
0xcf: {  	v5 =	vld [tilespmem:s21+$0xFFFFFFD0]  }
0xd0: {  	v8 =	vld [tilespmem:s22+$0xFFFFFFD0];
	_ =	sdelay $0x2  }
0xd1: {  	v6 =	vadd.f32 v7, v6;
	_ =	sdelay $0x1  }
0xd2: {  	v7 =	vld [tilespmem:s9+$0xFFFFFFE0];
	[tilespmem:s10+$0x60] =	vst v6;
	v5 =	vadd.f32 v8, v5  }
0xd3: {  	v6 =	vld [tilespmem:s21+$0x60]  }
0xd4: {  	v8 =	vld [tilespmem:s22+$0x60];
	[tilespmem:s12+$0x60] =	vst v5  }
0xd5: {  	v3 =	vadd.f32 v4, v3;
	v4 =	vld [tilespmem:s21+$0xFFFFFFE0]  }
0xd6: {  	v5 =	vld [tilespmem:s22+$0xFFFFFFE0]  }
0xd7: {  	[tilespmem:s14+$0x70] =	vst v3;
	v1 =	vadd.f32 v7, v1  }
0xd8: {  	v3 =	vld [tilespmem:s8+$0x70]  }
0xd9: {  	v7 =	vld [tilespmem:s9+$0x70];
	[tilespmem:s7+$0x70] =	vst v1;
	v1 =	vadd.f32 v8, v6  }
0xda: {  	v6 =	vld [tilespmem:s8+$0xFFFFFFF0]  }
0xdb: {  	v8 =	vld [tilespmem:s9+$0xFFFFFFF0];
	[tilespmem:s10+$0x70] =	vst v1;
	v1 =	vadd.f32 v5, v4  }
0xdc: {  	v4 =	vld [tilespmem:s21+$0x70]  }
0xdd: {  	v5 =	vld [tilespmem:s22+$0x70];
	[tilespmem:s12+$0x70] =	vst v1  }
0xde: {  	v1 =	vld [tilespmem:s21+$0xFFFFFFF0]  }
0xdf: {  	v9 =	vld [tilespmem:s22+$0xFFFFFFF0]  }
0xe0: {  	v0 =	vadd.f32 v2, v0  }
0xe1: {  	v2 =	vadd.f32 v7, v3  }
0xe2: {  	[tilespmem:s20+$0x400] =	vst v0;
	v0 =	vadd.f32 v8, v6  }
0xe3: {  	[tilespmem:s14+$0x400] =	vst v2;
	v2 =	vadd.f32 v5, v4  }
0xe4: {  	[tilespmem:s7+$0x400] =	vst v0;
	v0 =	vadd.f32 v9, v1  }
0xe5: {  	s0 =	sshll.u32 s0, $0x5;
	[tilespmem:s10+$0x400] =	vst v2  }
0xe6: {  	s1 =	simm.s32 $0xA400;
	p1 =	seq.s32 s17, $0x7C;
	s0 =	sadd.s32 s6, s0;
	[tilespmem:s12+$0x400] =	vst v0  }
0xe7: {  	[hbm4b:s0+s3] =	stream.linear.scatter [tilespmem:s1], [sflag:$0x7], $0x2800, $0x38;
	[tilespmem:$0xF400] =	vst v63  }
0xe8: {  	s2 =	simm.s32 @!p1 $0x4F00;
	s0 =	sadd.s32 @!p1 $0x50, s18;
	s1 =	simm.s32 @!p1 $0x28  }
0xe9: {  	[tilespmem:s2], [sflag:$0x1] =	stream.indirect.gather @!p1 [hbm4b:s5+s1], $0x80, s0, s1, $0xb8;
	[tilespmem:$0xF400] =	vst v63  }
0xea: {  	s0 =	sadd.s32 @!p1 s4, s0  }
0xeb: {  	s7 =	simm.s32 @!p1 $0x7700;
	s2 =	sadd.s32 @!p1 $0x27D0, s18;
	s0 =	sshll.u32 @!p1 s0, $0x1  }
0xec: {  	[tilespmem:s7], [sflag:$0x3] =	stream.indirect.gather @!p1 [hbm4b:s5+s1], $0x80, s2, s1, $0xb8;
	[tilespmem:$0xF400] =	vst v63  }
0xed: {  	s0 =	sand.u32 @!p1 $0x1FFFFFE0, s0;
	s1 =	rddreg [dreg:$0x1]  }
0xee: {  	s2 =	simm.s32 @!p1 $0x9F00;
	s0 =	sadd.s32 @!p1 s1, s0;
	s1 =	simm.s32 @!p1 $0x0  }
0xef: {  	[tilespmem:s2], [sflag:$0x5] =	stream.linear.gather @!p1 [hbm4b:s0+s1], $0x280, $0x38;
	[tilespmem:$0xF400] =	vst v63  }
0xf0: {  	_ =	swait.ge [sflag:s28], $0x1400  }
0xf1: {  	[sflag:s28] =	ssyncset.done $0x0  }
0xf2: {  	[sflag:s28] =	ssyncadd.s32 $0xFFFFEC00  }
0xf3: {  	_ =	swait.ge [sflag:s29], $0x1400  }
0xf4: {  	[sflag:s29] =	ssyncset.done $0x0  }
0xf5: {  	[sflag:s29] =	ssyncadd.s32 $0xFFFFEC00  }
0xf6: {  	_ =	swait.ge [sflag:s30], $0x280  }
0xf7: {  	[sflag:s30] =	ssyncset.done $0x0  }
0xf8: {  	s0 =	simm.s32 @!p0 $0x8;
	[sflag:s30] =	ssyncadd.s32 $0xFFFFFD80  }
0xf9: {  	_ =	swait.ge @!p0 [sflag:s0], $0x2800  }
0xfa: {  	[sflag:s0] =	ssyncset.done @!p0 $0x0  }
0xfb: {  	s19 =	simm.s32 $0xA190;
	[sflag:s0] =	ssyncadd.s32 @!p0 $0xFFFFD800  }
0xfc: {  	v0 =	vld [tilespmem:s19+$0x0]  }
0xfd: {  	s20 =	simm.s32 $0x0  }
0xfe: {  	s21 =	sand.u32 $0x3800, s20;
	s22 =	simm.s32 $0x80  }
0xff: {  	s26 =	sadd.s32 $0xCC00, s21;
	s7 =	sand.u32 $0x380, s22  }
0x100: {  	s21 =	sor.u32 s7, s26  }
0x101: {  	s0 =	simm.s32 $0x6380;
	v1 =	vld [tilespmem:s19+$0xFFFFFFF0];
	[tilespmem:s21+$0x0] =	vst v0  }
0x102: {  	s22 =	simm.s32 $0x8B80;
	v0 =	vld [tilespmem:s0+$0x0]  }
0x103: {  	v2 =	vld [tilespmem:s22+$0x0]  }
0x104: {  	s9 =	sand.u32 $0x300, s20  }
0x105: {  	s20 =	sor.u32 s9, s26  }
0x106: {  	[tilespmem:s20+$0x0] =	vst v1  }
0x107: {  	v1 =	vld [tilespmem:s0+$0xFFFFFF80]  }
0x108: {  	v3 =	vld [tilespmem:s22+$0xFFFFFF80];
	v0 =	vadd.f32 v2, v0;
	_ =	sdelay $0x1  }
0x109: {  	[tilespmem:s21+$0x10] =	vst v0  }
0x10a: {  	v0 =	vld [tilespmem:s0+$0x10]  }
0x10b: {  	v2 =	vld [tilespmem:s22+$0x10]  }
0x10c: {  	v1 =	vadd.f32 v3, v1;
	_ =	sdelay $0x1  }
0x10d: {  	[tilespmem:s20+$0x10] =	vst v1  }
0x10e: {  	v1 =	vld [tilespmem:s0+$0xFFFFFF90]  }
0x10f: {  	v3 =	vld [tilespmem:s22+$0xFFFFFF90];
	v0 =	vadd.f32 v2, v0;
	_ =	sdelay $0x1  }
0x110: {  	[tilespmem:s21+$0x20] =	vst v0  }
0x111: {  	v0 =	vld [tilespmem:s0+$0x20]  }
0x112: {  	v2 =	vld [tilespmem:s22+$0x20]  }
0x113: {  	v1 =	vadd.f32 v3, v1;
	_ =	sdelay $0x1  }
0x114: {  	[tilespmem:s20+$0x20] =	vst v1  }
0x115: {  	v1 =	vld [tilespmem:s0+$0xFFFFFFA0]  }
0x116: {  	v3 =	vld [tilespmem:s22+$0xFFFFFFA0];
	v0 =	vadd.f32 v2, v0  }
0x117: {  	s10 =	simm.s32 $0xA1B0  }
0x118: {  	v2 =	vld [tilespmem:s10+$0x0];
	[tilespmem:s21+$0x30] =	vst v0  }
0x119: {  	v0 =	vld [tilespmem:s0+$0x30]  }
0x11a: {  	v4 =	vld [tilespmem:s22+$0x30]  }
0x11b: {  	s11 =	simm.s32 $0x200;
	v1 =	vadd.f32 v3, v1  }
0x11c: {  	s12 =	simm.s32 $0x180;
	s2 =	sand.u32 $0x3800, s11  }
0x11d: {  	s15 =	sand.u32 $0x380, s12;
	s13 =	sadd.s32 $0xCC00, s2;
	[tilespmem:s20+$0x30] =	vst v1;
	v1 =	vld [tilespmem:s10+$0xFFFFFFF0]  }
0x11e: {  	s14 =	sor.u32 s15, s13;
	v3 =	vld [tilespmem:s0+$0xFFFFFFB0]  }
0x11f: {  	s9 =	simm.s32 $0x8C80;
	[tilespmem:s14+$0x0] =	vst v2;
	v2 =	vld [tilespmem:s22+$0xFFFFFFB0];
	v0 =	vadd.f32 v4, v0  }
0x120: {  	s8 =	simm.s32 $0x6480;
	v5 =	vld [tilespmem:s9+$0x0]  }
0x121: {  	s16 =	simm.s32 $0x100;
	v4 =	vld [tilespmem:s8+$0x0];
	[tilespmem:s21+$0x40] =	vst v0  }
0x122: {  	s2 =	sand.u32 $0x300, s16;
	v0 =	vld [tilespmem:s0+$0x40]  }
0x123: {  	s7 =	sor.u32 s2, s13;
	v6 =	vld [tilespmem:s22+$0x40]  }
0x124: {  	[tilespmem:s7+$0x0] =	vst v1;
	v1 =	vadd.f32 v2, v3  }
0x125: {  	v2 =	vld [tilespmem:s8+$0xFFFFFF80]  }
0x126: {  	v3 =	vld [tilespmem:s9+$0xFFFFFF80];
	[tilespmem:s20+$0x40] =	vst v1;
	v4 =	vadd.f32 v5, v4  }
0x127: {  	v1 =	vld [tilespmem:s0+$0xFFFFFFC0]  }
0x128: {  	[tilespmem:s14+$0x10] =	vst v4;
	v4 =	vld [tilespmem:s22+$0xFFFFFFC0];
	v0 =	vadd.f32 v6, v0  }
0x129: {  	v5 =	vld [tilespmem:s8+$0x10]  }
0x12a: {  	v6 =	vld [tilespmem:s9+$0x10];
	[tilespmem:s21+$0x50] =	vst v0  }
0x12b: {  	v0 =	vadd.f32 v3, v2;
	v2 =	vld [tilespmem:s0+$0x50]  }
0x12c: {  	v3 =	vld [tilespmem:s22+$0x50]  }
0x12d: {  	[tilespmem:s7+$0x10] =	vst v0;
	v0 =	vadd.f32 v4, v1  }
0x12e: {  	v1 =	vld [tilespmem:s8+$0xFFFFFF90]  }
0x12f: {  	v4 =	vld [tilespmem:s9+$0xFFFFFF90];
	v5 =	vadd.f32 v6, v5;
	[tilespmem:s20+$0x50] =	vst v0  }
0x130: {  	v0 =	vld [tilespmem:s0+$0xFFFFFFD0]  }
0x131: {  	[tilespmem:s14+$0x20] =	vst v5;
	v5 =	vld [tilespmem:s22+$0xFFFFFFD0];
	v2 =	vadd.f32 v3, v2  }
0x132: {  	v3 =	vld [tilespmem:s8+$0x20]  }
0x133: {  	v6 =	vld [tilespmem:s9+$0x20];
	[tilespmem:s21+$0x60] =	vst v2  }
0x134: {  	v1 =	vadd.f32 v4, v1;
	v2 =	vld [tilespmem:s0+$0x60]  }
0x135: {  	v4 =	vld [tilespmem:s22+$0x60]  }
0x136: {  	[tilespmem:s7+$0x20] =	vst v1  }
0x137: {  	v0 =	vadd.f32 v5, v0;
	v1 =	vld [tilespmem:s8+$0xFFFFFFA0]  }
0x138: {  	s19 =	simm.s32 $0xA1D0;
	v5 =	vld [tilespmem:s9+$0xFFFFFFA0];
	v3 =	vadd.f32 v6, v3  }
0x139: {  	v6 =	vld [tilespmem:s19+$0x0];
	[tilespmem:s20+$0x60] =	vst v0  }
0x13a: {  	v0 =	vld [tilespmem:s0+$0xFFFFFFE0];
	[tilespmem:s14+$0x30] =	vst v3;
	v2 =	vadd.f32 v4, v2  }
0x13b: {  	v3 =	vld [tilespmem:s8+$0x30]  }
0x13c: {  	v4 =	vld [tilespmem:s9+$0x30];
	[tilespmem:s21+$0x70] =	vst v2  }
0x13d: {  	s1 =	simm.s32 $0x400;
	v1 =	vadd.f32 v5, v1;
	v2 =	vld [tilespmem:s0+$0x70]  }
0x13e: {  	s11 =	simm.s32 $0x280;
	s26 =	sand.u32 $0x3800, s1;
	v7 =	vld [tilespmem:s22+$0x70]  }
0x13f: {  	s12 =	sadd.s32 $0xCC00, s26;
	s13 =	sand.u32 $0x380, s11;
	[tilespmem:s7+$0x30] =	vst v1;
	v1 =	vld [tilespmem:s19+$0xFFFFFFF0]  }
0x140: {  	s10 =	sor.u32 s13, s12;
	v5 =	vld [tilespmem:s8+$0xFFFFFFB0]  }
0x141: {  	s16 =	simm.s32 $0x8D80;
	[tilespmem:s10+$0x0] =	vst v6;
	v6 =	vld [tilespmem:s9+$0xFFFFFFB0];
	v3 =	vadd.f32 v4, v3  }
0x142: {  	s13 =	simm.s32 $0x6580;
	v8 =	vld [tilespmem:s16+$0x0];
	s19 =	simm.s32 $0x200  }
0x143: {  	v4 =	vld [tilespmem:s13+$0x0];
	s15 =	sand.u32 $0x300, s19;
	[tilespmem:s14+$0x40] =	vst v3  }
0x144: {  	s12 =	sor.u32 s15, s12;
	v3 =	vld [tilespmem:s8+$0x40]  }
0x145: {  	[tilespmem:s12+$0x0] =	vst v1;
	v1 =	vld [tilespmem:s9+$0x40]  }
0x146: {  	v61 =	vld [tilespmem:s13+$0xFFFFFF80];
	v5 =	vadd.f32 v6, v5  }
0x147: {  	v6 =	vld [tilespmem:s16+$0xFFFFFF80]  }
0x148: {  	v4 =	vadd.f32 v8, v4;
	[tilespmem:s7+$0x40] =	vst v5;
	v5 =	vld [tilespmem:s22+$0xFFFFFFE0]  }
0x149: {  	v8 =	vld [tilespmem:s8+$0xFFFFFFC0]  }
0x14a: {  	[tilespmem:s10+$0x10] =	vst v4;
	v4 =	vld [tilespmem:s9+$0xFFFFFFC0];
	v1 =	vadd.f32 v1, v3  }
0x14b: {  	v62 =	vld [tilespmem:s16+$0x10]  }
0x14c: {  	v3 =	vld [tilespmem:s13+$0x10];
	v6 =	vadd.f32 v6, v61;
	[tilespmem:s14+$0x50] =	vst v1  }
0x14d: {  	v1 =	vld [tilespmem:s8+$0x50]  }
0x14e: {  	v0 =	vadd.f32 v5, v0;
	[tilespmem:s12+$0x10] =	vst v6;
	v5 =	vld [tilespmem:s9+$0x50]  }
0x14f: {  	v4 =	vadd.f32 v4, v8;
	v6 =	vld [tilespmem:s13+$0xFFFFFF90]  }
0x150: {  	v8 =	vld [tilespmem:s16+$0xFFFFFF90];
	[tilespmem:s20+$0x70] =	vst v0  }
0x151: {  	v3 =	vadd.f32 v62, v3;
	[tilespmem:s7+$0x50] =	vst v4;
	v0 =	vld [tilespmem:s0+$0xFFFFFFF0]  }
0x152: {  	v63 =	vld [tilespmem:s8+$0xFFFFFFD0]  }
0x153: {  	[tilespmem:s10+$0x20] =	vst v3;
	v10 =	vld [tilespmem:s9+$0xFFFFFFD0];
	v1 =	vadd.f32 v5, v1  }
0x154: {  	v11 =	vld [tilespmem:s13+$0x20]  }
0x155: {  	v4 =	vadd.f32 v8, v6;
	v8 =	vld [tilespmem:s16+$0x20];
	[tilespmem:s14+$0x60] =	vst v1  }
0x156: {  	v3 =	vld [tilespmem:s8+$0x60]  }
0x157: {  	v7 =	vadd.f32 v7, v2;
	[tilespmem:s12+$0x20] =	vst v4;
	v4 =	vld [tilespmem:s9+$0x60]  }
0x158: {  	v1 =	vadd.f32 v10, v63;
	v5 =	vld [tilespmem:s13+$0xFFFFFFA0]  }
0x159: {  	v6 =	vld [tilespmem:s16+$0xFFFFFFA0];
	s26 =	rddreg [dreg:$0x7];
	[tilespmem:s21+$0x400] =	vst v7  }
0x15a: {  	s31 =	simm.s32 $0xA1F0;
	v2 =	vld [tilespmem:s22+$0xFFFFFFF0];
	s22 =	simm.s32 $0x8D80;
	[tilespmem:s7+$0x60] =	vst v1;
	v7 =	vadd.f32 v8, v11  }
0x15b: {  	s21 =	simm.s32 $0x6580;
	s0 =	sadd.s32 s18, s26;
	s26 =	simm.s32 $0x4;
	v1 =	vld [tilespmem:s8+$0xFFFFFFE0]  }
.LBB2_5:
0x15c: {  	v8 =	vld [tilespmem:s31+$0x0];
	[tilespmem:s10+$0x30] =	vst v7;
	v3 =	vadd.f32 v4, v3  }
0x15d: {  	v4 =	vld [tilespmem:s13+$0x30]  }
0x15e: {  	v5 =	vadd.f32 v6, v5;
	v6 =	vld [tilespmem:s16+$0x30];
	[tilespmem:s14+$0x70] =	vst v3  }
0x15f: {  	s1 =	sadd.s32 $0x200, s1;
	s19 =	sadd.s32 $0x100, s19;
	v3 =	vld [tilespmem:s8+$0x70];
	v0 =	vadd.f32 v2, v0  }
0x160: {  	s2 =	sand.u32 $0x3800, s1;
	s11 =	sand.u32 $0x300, s19;
	s15 =	sadd.s32 $0x80, s19;
	[tilespmem:s12+$0x30] =	vst v5;
	v2 =	vld [tilespmem:s9+$0x70]  }
0x161: {  	s2 =	sadd.s32 $0xCC00, s2;
	s15 =	sand.u32 $0x380, s15;
	v5 =	vld [tilespmem:s31+$0xFFFFFFF0];
	[tilespmem:s20+$0x400] =	vst v0;
	s20 =	smov.u32 s7  }
0x162: {  	s15 =	sor.u32 s15, s2;
	s7 =	smov.u32 s12;
	s12 =	sor.u32 s11, s2;
	v0 =	vld [tilespmem:s13+$0xFFFFFFB0]  }
0x163: {  	s13 =	sadd.s32 $0x100, s13;
	[tilespmem:s15+$0x0] =	vst v8;
	v7 =	vld [tilespmem:s16+$0xFFFFFFB0];
	v4 =	vadd.f32 v6, v4  }
0x164: {  	s16 =	sadd.s32 $0x100, s16;
	v6 =	vld [tilespmem:s13+$0x0]  }
0x165: {  	v8 =	vld [tilespmem:s16+$0x0];
	[tilespmem:s10+$0x40] =	vst v4;
	v2 =	vadd.f32 v2, v3  }
0x166: {  	s26 =	sadd.s32 $0x2, s26;
	[tilespmem:s12+$0x0] =	vst v5;
	v3 =	vld [tilespmem:s21+$0x40]  }
0x167: {  	p0 =	slt.u32 s26, $0x26;
	v4 =	vld [tilespmem:s22+$0x40];
	[tilespmem:s14+$0x400] =	vst v2;
	s14 =	smov.u32 s10;
	s10 =	smov.u32 s15  }
0x168: {  	v2 =	vld [tilespmem:s13+$0xFFFFFF80];
	v0 =	vadd.f32 v7, v0  }
0x169: {  	v5 =	vld [tilespmem:s16+$0xFFFFFF80]  }
0x16a: {  	v6 =	vadd.f32 v8, v6;
	[tilespmem:s7+$0x40] =	vst v0;
	v0 =	vld [tilespmem:s9+$0xFFFFFFE0]  }
0x16b: {  	v7 =	vld [tilespmem:s21+$0xFFFFFFC0]  }
0x16c: {  	[tilespmem:s10+$0x10] =	vst v6;
	v6 =	vld [tilespmem:s22+$0xFFFFFFC0];
	v3 =	vadd.f32 v4, v3  }
0x16d: {  	v4 =	vld [tilespmem:s13+$0x10]  }
0x16e: {  	v2 =	vadd.f32 v5, v2;
	v5 =	vld [tilespmem:s16+$0x10];
	[tilespmem:s14+$0x50] =	vst v3  }
0x16f: {  	v3 =	vld [tilespmem:s21+$0x50];
	v0 =	vadd.f32 v0, v1  }
0x170: {  	[tilespmem:s12+$0x10] =	vst v2;
	v1 =	vld [tilespmem:s22+$0x50]  }
0x171: {  	v2 =	vld [tilespmem:s13+$0xFFFFFF90];
	v6 =	vadd.f32 v6, v7;
	[tilespmem:s20+$0x70] =	vst v0  }
0x172: {  	v7 =	vld [tilespmem:s16+$0xFFFFFF90]  }
0x173: {  	v4 =	vadd.f32 v5, v4;
	[tilespmem:s7+$0x50] =	vst v6;
	v0 =	vld [tilespmem:s8+$0xFFFFFFF0];
	s8 =	smov.u32 s21;
	s21 =	smov.u32 s13  }
0x174: {  	v6 =	vld [tilespmem:s8+$0xFFFFFFD0]  }
0x175: {  	[tilespmem:s10+$0x20] =	vst v4;
	v8 =	vld [tilespmem:s22+$0xFFFFFFD0];
	v1 =	vadd.f32 v1, v3  }
0x176: {  	v9 =	vld [tilespmem:s13+$0x20]  }
0x177: {  	v2 =	vadd.f32 v7, v2;
	v7 =	vld [tilespmem:s16+$0x20];
	[tilespmem:s14+$0x60] =	vst v1  }
0x178: {  	v3 =	vld [tilespmem:s8+$0x60]  }
.Ltmp3:
0x179: {  	[tilespmem:s12+$0x20] =	vst v2;
	v4 =	vld [tilespmem:s22+$0x60];
	(pc) =	sbr.rel @p0 .LBB2_5-.Ltmp3, $4  }
0x17a: {  	v5 =	vld [tilespmem:s13+$0xFFFFFFA0];
	v1 =	vadd.f32 v8, v6  }
0x17b: {  	v6 =	vld [tilespmem:s16+$0xFFFFFFA0]  }
0x17c: {  	v7 =	vadd.f32 v7, v9;
	[tilespmem:s7+$0x60] =	vst v1;
	v2 =	vld [tilespmem:s9+$0xFFFFFFF0];
	s9 =	smov.u32 s22;
	s22 =	smov.u32 s16  }
0x17d: {  	s31 =	sadd.s32 $0x20, s31;
	v1 =	vld [tilespmem:s8+$0xFFFFFFE0]  }
0x17e: {  	_ =	sdelay $0x1  }
0x17f: {  	[tilespmem:s10+$0x30] =	vst v7;
	v5 =	vadd.f32 v6, v5  }
0x180: {  	v45 =	vld [tilespmem:s13+$0x30]  }
0x181: {  	v7 =	vld [tilespmem:s16+$0x30];
	[tilespmem:s12+$0x30] =	vst v5  }
0x182: {  	v5 =	vld [tilespmem:s13+$0xFFFFFFB0]  }
0x183: {  	v8 =	vld [tilespmem:s16+$0xFFFFFFB0];
	_ =	sdelay $0x2  }
0x184: {  	v6 =	vadd.f32 v7, v45;
	_ =	sdelay $0x1  }
0x185: {  	[tilespmem:s10+$0x40] =	vst v6;
	v5 =	vadd.f32 v8, v5  }
0x186: {  	v6 =	vld [tilespmem:s21+$0x40]  }
0x187: {  	v46 =	vld [tilespmem:s22+$0x40];
	[tilespmem:s12+$0x40] =	vst v5  }
0x188: {  	v5 =	vld [tilespmem:s21+$0xFFFFFFC0]  }
0x189: {  	v47 =	vld [tilespmem:s22+$0xFFFFFFC0];
	_ =	sdelay $0x2  }
0x18a: {  	v6 =	vadd.f32 v46, v6;
	_ =	sdelay $0x1  }
0x18b: {  	[tilespmem:s10+$0x50] =	vst v6;
	v5 =	vadd.f32 v47, v5  }
0x18c: {  	v6 =	vld [tilespmem:s21+$0x50]  }
0x18d: {  	v48 =	vld [tilespmem:s22+$0x50];
	[tilespmem:s12+$0x50] =	vst v5  }
0x18e: {  	v5 =	vld [tilespmem:s21+$0xFFFFFFD0]  }
0x18f: {  	v49 =	vld [tilespmem:s22+$0xFFFFFFD0];
	_ =	sdelay $0x2  }
0x190: {  	v6 =	vadd.f32 v48, v6;
	_ =	sdelay $0x1  }
0x191: {  	v50 =	vld [tilespmem:s9+$0xFFFFFFE0];
	[tilespmem:s10+$0x60] =	vst v6;
	v5 =	vadd.f32 v49, v5  }
0x192: {  	v6 =	vld [tilespmem:s21+$0x60]  }
0x193: {  	v51 =	vld [tilespmem:s22+$0x60];
	[tilespmem:s12+$0x60] =	vst v5  }
0x194: {  	v3 =	vadd.f32 v4, v3;
	v52 =	vld [tilespmem:s21+$0xFFFFFFE0]  }
0x195: {  	v5 =	vld [tilespmem:s22+$0xFFFFFFE0]  }
0x196: {  	[tilespmem:s14+$0x70] =	vst v3;
	v1 =	vadd.f32 v50, v1  }
0x197: {  	v3 =	vld [tilespmem:s8+$0x70]  }
0x198: {  	v53 =	vld [tilespmem:s9+$0x70];
	[tilespmem:s7+$0x70] =	vst v1;
	v54 =	vadd.f32 v51, v6  }
0x199: {  	v55 =	vld [tilespmem:s8+$0xFFFFFFF0]  }
0x19a: {  	v56 =	vld [tilespmem:s9+$0xFFFFFFF0];
	[tilespmem:s10+$0x70] =	vst v54;
	v57 =	vadd.f32 v5, v52  }
0x19b: {  	v58 =	vld [tilespmem:s21+$0x70]  }
0x19c: {  	v59 =	vld [tilespmem:s22+$0x70];
	[tilespmem:s12+$0x70] =	vst v57  }
0x19d: {  	v1 =	vld [tilespmem:s21+$0xFFFFFFF0]  }
0x19e: {  	v9 =	vld [tilespmem:s22+$0xFFFFFFF0]  }
0x19f: {  	v0 =	vadd.f32 v2, v0  }
0x1a0: {  	v60 =	vadd.f32 v53, v3  }
0x1a1: {  	[tilespmem:s20+$0x400] =	vst v0;
	v61 =	vadd.f32 v56, v55  }
.Ltmp4:
0x1a2: {  	[tilespmem:s14+$0x400] =	vst v60;
	v62 =	vadd.f32 v59, v58;
	(pc) =	sbr.rel @p1 .LBB2_8-.Ltmp4, $4  }
0x1a3: {  	[tilespmem:s7+$0x400] =	vst v61;
	v63 =	vadd.f32 v9, v1  }
0x1a4: {  	s0 =	sshll.u32 s0, $0x5;
	[tilespmem:s10+$0x400] =	vst v62  }
0x1a5: {  	s1 =	simm.s32 $0xCC00;
	s0 =	sadd.s32 s6, s0;
	[tilespmem:s12+$0x400] =	vst v63  }
0x1a6: {  	[hbm4b:s0+s3] =	stream.linear.scatter [tilespmem:s1], [sflag:$0x8], $0x2800, $0x38;
	[tilespmem:$0xF400] =	vst v63  }
0x1a7: {  	s0 =	sadd.s32 $0x78, s18;
	s2 =	simm.s32 $0x28;
	s1 =	simm.s32 $0x6300  }
0x1a8: {  	[tilespmem:s1], [sflag:$0x2] =	stream.indirect.gather [hbm4b:s5+s2], $0x80, s0, s2, $0xb8;
	[tilespmem:$0xF400] =	vst v63  }
0x1a9: {  	s22 =	sadd.s32 $0x27F8, s18;
	s0 =	sadd.s32 s4, s0  }
.Ltmp5:
0x1aa: {  	s7 =	simm.s32 $0x8B00;
	s0 =	sshll.u32 s0, $0x1;
	(pc) =	sbr.rel .LBB2_2-.Ltmp5, $4  }
0x1ab: {  	[tilespmem:s7], [sflag:$0x4] =	stream.indirect.gather [hbm4b:s5+s2], $0x80, s22, s2, $0xb8;
	[tilespmem:$0xF400] =	vst v63  }
0x1ac: {  	s26 =	rddreg [dreg:$0x1];
	s0 =	sand.u32 $0x1FFFFFF0, s0  }
0x1ad: {  	s31 =	simm.s32 $0xA180;
	s17 =	sadd.s32 $0x1, s17;
	s0 =	sadd.s32 s26, s0  }
0x1ae: {  	[tilespmem:s31], [sflag:$0x6] =	stream.linear.gather [hbm4b:s0+s3], $0x280, $0x38;
	[tilespmem:$0xF400] =	vst v63  }
.LBB2_9:
0x1af: {  	_ =	sfence.sel $0x180000  }
0x1b0: {  	[bflag:$0x0] =	sbarrier.arrive $0xFFFF  }
0x1b1: {  	_ =	strace $0x90000047  }
0x1b2: {  	s0 =	stileid.u32;
	[bflag:$0x2] =	sbarrier.arrive $0xFFFF  }
0x1b3: {  	p0 =	sne.s32 s0, $0x0;
	s0 =	rddreg [dreg:$0x2]  }
0x1b4: {  	s0 =	sadd.s32 @!p0 $0x100000, s0  }
0x1b5: {  	[sflag:s0] =	ssyncadd.tile.s32 @!p0 $0x1;
	_ =	shalt  }
.Lfunc_end2:
_tile_overlayer_lowered:
.L_overlay_start_2:
0x1b6: {  	(tag) =	ssettag $0x2  }
0x1b7: {  	s0 =	rddreg [dreg:$0x0];
	s2 =	stileid.u32  }
0x1b8: {  	s1 =	rddreg [dreg:$0x1];
	p0 =	sne.s32 s2, $0x0  }
0x1b9: {  	s3 =	rddreg [dreg:$0x2];
	[bflag:$0x3] =	sbarrier.arrive $0xFFFF;
	s2 =	simm.s32 @!p0 $0x1C09  }
0x1ba: {  	[timem:s3], [sflag:s2] =	dma.local @!p0 [hbm:s0], s1  }
0x1bb: {  	s0 =	simm.s32 @!p0 $0x9  }
0x1bc: {  	_ =	swait.ge @!p0 [sflag:s0], s1  }
0x1bd: {  	s1 =	ssub.s32 @!p0 $0x0, s1;
	[sflag:s0] =	ssyncset.done @!p0 $0x0  }
0x1be: {  	[sflag:s0] =	ssyncadd.s32 @!p0 s1  }
0x1bf: {  	[bflag:$0x3] =	sbarrier.arrive $0xFFFF  }
0x1c0: {  	_ =	shalt  }

</sc_bundles>
